<compile_context>
chip_gen: v7x
topology: tpu7x:2x2x1
jax: 0.10.2.dev20260603
libtpu: 0.0.44.dev20260713+nightly
codegen_flags: <defaults>
</compile_context>

<pallas_src>
import functools

import jax
import jax.numpy as jnp
from jax import lax
from jax.experimental import pallas as pl
from jax.experimental.pallas import tpu as pltpu
from jax.experimental.pallas import tpu_sc as plsc

B = 2; N = 4096; FEAT = 128; KOD = 128; K = 15; NL = 32
CONV_R = 0.125; KERN_R = 0.06; EPS = 1e-12

_NC = 2
_NS = 16
_NW = _NC * _NS
_ROWS = B * N * NL
_RPW = _ROWS // _NW
_GPW = _RPW // 128
_CHUNK = 512
_NCHUNK = _RPW // _CHUNK
_PD = 128


def _leaky(x):
    return jnp.where(x >= 0, x, 0.1 * x)


_BQ_BLK = 256


def _bq_body(ptsT_ref, pts_ref, out_ref):
    pr = ptsT_ref[0]
    xr, yr, zr = pr[:, 0:1], pr[:, 1:2], pr[:, 2:3]
    pa = pts_ref[0]
    x, y, z = pa[0:1, :], pa[1:2, :], pa[2:3, :]
    sqr = xr * xr + yr * yr + zr * zr
    sq = x * x + y * y + z * z
    def _r(v):
        return v.astype(jnp.bfloat16).astype(jnp.float32)
    dot = _r(xr) * _r(x) + _r(yr) * _r(y) + _r(zr) * _r(z)
    d2 = sqr + sq - 2.0 * dot
    iota = lax.broadcasted_iota(jnp.int32, (_BQ_BLK, N), 1).astype(jnp.float32)
    cand = jnp.where(d2 <= CONV_R * CONV_R, iota, float(N))
    cols = []
    for _ in range(NL):
        m = jnp.min(cand, axis=1, keepdims=True)
        cols.append(m)
        cand = jnp.where(cand == m, float(N), cand)
    out_ref[0] = jnp.concatenate(cols, axis=1).astype(jnp.int32)


def _ball_query(pts):
    ptsT = pts
    ptsC = pts.transpose(0, 2, 1)
    return pl.pallas_call(
        _bq_body,
        out_shape=jax.ShapeDtypeStruct((B, N, NL), jnp.int32),
        grid=(B, N // _BQ_BLK),
        in_specs=[
            pl.BlockSpec((1, _BQ_BLK, 3), lambda b, i: (b, i, 0)),
            pl.BlockSpec((1, 3, N), lambda b, i: (b, 0, 0)),
        ],
        out_specs=pl.BlockSpec((1, _BQ_BLK, NL), lambda b, i: (b, i, 0)),
    )(ptsT, ptsC)


def _sc_gather_body(f0_hbm, f1_hbm, pts_hbm, gidx_hbm,
                    nf0_hbm, nf1_hbm, pos_hbm,
                    idx_v, bufa_v, bufb_v, sema, semb):
    wid = lax.axis_index("s") * _NC + lax.axis_index("c")
    pltpu.sync_copy(gidx_hbm.at[pl.ds(wid * _GPW, _GPW)], idx_v)

    def feat_loop(tab_hbm, out_hbm):
        def fire(c, buf, sem):
            for h in range(2):
                pltpu.async_copy(tab_hbm.at[idx_v.at[c * 2 + h]], buf.at[h], sem)

        def drain(buf, sem):
            pltpu.make_async_copy(out_hbm.at[pl.ds(0, 2)], buf, sem).wait()

        fire(0, bufa_v, sema)

        def body(i, carry):
            c0 = 2 * i
            fire(c0 + 1, bufb_v, semb)
            drain(bufa_v, sema)
            pltpu.sync_copy(bufa_v, out_hbm.at[pl.ds(wid * 2 * _NCH + c0 * 2, 2)])

            @pl.when(i < _NCH // 2 - 1)
            def _():
                fire(c0 + 2, bufa_v, sema)
            drain(bufb_v, semb)
            pltpu.sync_copy(bufb_v, out_hbm.at[pl.ds(wid * 2 * _NCH + c0 * 2 + 2, 2)])
            return carry
        lax.fori_loop(0, _NCH // 2, body, 0)

    feat_loop(f0_hbm, nf0_hbm)
    feat_loop(f1_hbm, nf1_hbm)
    feat_loop(pts_hbm, pos_hbm)


_NCH = 32


@functools.lru_cache(maxsize=None)
def _sc_gather():
    return functools.partial(
        pl.kernel,
        out_type=(
            jax.ShapeDtypeStruct((_ROWS // 128, 128, FEAT), jnp.float32),
            jax.ShapeDtypeStruct((_ROWS // 128, 128, FEAT), jnp.float32),
            jax.ShapeDtypeStruct((_ROWS // 128, 128, FEAT), jnp.float32),
        ),
        mesh=plsc.VectorSubcoreMesh(core_axis_name="c", subcore_axis_name="s",
                                    num_cores=_NC, num_subcores=_NS),
        scratch_types=[
            pltpu.VMEM((_GPW, 128), jnp.int32),
            pltpu.VMEM((2, 128, FEAT), jnp.float32),
            pltpu.VMEM((2, 128, FEAT), jnp.float32),
            pltpu.SemaphoreType.DMA,
            pltpu.SemaphoreType.DMA,
        ],
    )(_sc_gather_body)


def _final_kernel(x_ref, w_ref, b_ref, o_ref):
    o_ref[...] = _leaky(
        jnp.dot(x_ref[...], w_ref[...], preferred_element_type=jnp.float32)
        + b_ref[...][None, :])


def kernel(support_points, support_features, weights, deformed_weights, W_db, b_db, W_de, b_de, W_doff, b_doff, W_b, b_b, W_e, b_e, offset_bias, kernel_points):
    kp = kernel_points
    pts = support_points.transpose(0, 2, 1)
    feats = support_features.transpose(0, 2, 1)
    idx = _ball_query(pts)

    f0 = feats @ W_db.T + b_db
    f1 = feats @ W_b.T + b_b
    zrow = jnp.zeros((B, 1, FEAT), jnp.float32)
    f0p = jnp.concatenate([f0, zrow], axis=1).reshape(B * (N + 1), FEAT)
    f1p = jnp.concatenate([f1, zrow], axis=1).reshape(B * (N + 1), FEAT)
    ptsp = jnp.concatenate([pts, jnp.full((B, 1, 3), 1e6, jnp.float32)], axis=1)
    ptsp = jnp.pad(ptsp, ((0, 0), (0, 0), (0, FEAT - 3))).reshape(B * (N + 1), FEAT)
    gidx = (idx + (jnp.arange(B, dtype=jnp.int32) * (N + 1))[:, None, None]).reshape(
        _ROWS // 128, 128)

    nf0_flat, nf1_flat, pos_flat = _sc_gather()(f0p, f1p, ptsp, gidx)
    nf0 = nf0_flat.reshape(B, N, NL, FEAT)
    nf1 = nf1_flat.reshape(B, N, NL, FEAT)
    nbr_pos = pos_flat.reshape(B, N, NL, FEAT)[..., :3]

    rel = nbr_pos - pts[:, :, None, :]
    d20 = jnp.sum((rel[:, :, :, None, :] - kp[None, None, None, :, :]) ** 2, -1)
    infl0 = jnp.maximum(0.0, 1.0 - jnp.sqrt(d20 + EPS) / KERN_R)
    pk0 = jnp.einsum('bnsk,bnsc->bnkc', infl0, nf0)
    agg0 = _leaky(jnp.einsum('bnkc,kcd->bnd', pk0, deformed_weights))
    offf = _leaky(agg0 @ W_de.T + b_de)
    off = (offf @ W_doff.T + b_doff + offset_bias).reshape(B, N, K, 3)
    dkp = kp[None, None, :, :] + off
    d21 = jnp.sum((rel[:, :, :, None, :] - dkp[:, :, None, :, :]) ** 2, -1)
    infl1 = jnp.maximum(0.0, 1.0 - jnp.sqrt(d21 + EPS) / KERN_R)
    pk1 = jnp.einsum('bnsk,bnsc->bnkc', infl1, nf1)
    out = _leaky(jnp.einsum('bnkc,kcd->bnd', pk1, weights))
    fin = pl.pallas_call(
        _final_kernel,
        out_shape=jax.ShapeDtypeStruct((B * N, KOD), jnp.float32),
        grid=(B * N // 512,),
        in_specs=[
            pl.BlockSpec((512, KOD), lambda i: (i, 0)),
            pl.BlockSpec((KOD, KOD), lambda i: (0, 0)),
            pl.BlockSpec((KOD,), lambda i: (0,)),
        ],
        out_specs=pl.BlockSpec((512, KOD), lambda i: (i, 0)),
    )(out.reshape(B * N, KOD), W_e.T, b_e)
    return fin.reshape(B, N, KOD)

# --- scband reference (transcript-rebuilt; emitter-appended) ---
"""Pipeline reference for scband-deformable-kpconv-x-5317169512772 (READ-ONLY COPY).

The authoritative reference and input builder live on the scoring server;
editing this copy changes nothing except your own understanding.
"""

import jax, jax.numpy as jnp
import numpy as np

B = 2; N = 4096; FEAT = 128; KOD = 128; K = 15; NL = 32
CONV_R = 0.125; KERN_R = 0.06; EPS = 1e-12

def make_kernel_points():
    n = K - 1
    i = np.arange(n)
    phi = np.pi * (3.0 - np.sqrt(5.0))
    y = 1.0 - 2.0 * (i + 0.5) / n
    r = np.sqrt(np.maximum(0.0, 1.0 - y * y))
    th = phi * i
    shell = np.stack([r * np.cos(th), y, r * np.sin(th)], axis=-1) * KERN_R
    return np.concatenate([np.zeros((1, 3)), shell], axis=0).astype(np.float32)

def leaky(x):
    return jnp.where(x >= 0, x, 0.1 * x)

def gather(points, idx, shadow):
    Bb, Nn, Cc = points.shape
    padded = jnp.concatenate([points, jnp.full((Bb, 1, Cc), shadow, points.dtype)], axis=1)
    return jax.vmap(lambda p, i: p[i])(padded, idx)

def ball_query(pts):
    sq = jnp.sum(pts ** 2, -1)
    d2 = sq[:, :, None] + sq[:, None, :] - 2.0 * jnp.einsum('bnc,bmc->bnm', pts, pts)
    base = jnp.arange(pts.shape[1], dtype=jnp.int32)[None, None, :]
    idx = jnp.where(d2 > CONV_R ** 2, pts.shape[1], base).astype(jnp.int32)
    return jnp.sort(idx, axis=-1)[:, :, :NL]

def _forward(sp, sf, w, dw, wdb, bdb, wde, bde, wdoff, bdoff, wb, bb, we, be, ob, kp):
    pts = sp.transpose(0, 2, 1)
    feats = sf.transpose(0, 2, 1)
    idx = ball_query(pts)
    nbr_pos = gather(pts, idx, 1e6)
    rel = nbr_pos - pts[:, :, None, :]
    # deformation branch
    f0 = feats @ wdb.T + bdb
    nf0 = gather(f0, idx, 0.0)
    d20 = jnp.sum((rel[:, :, :, None, :] - kp[None, None, None, :, :]) ** 2, -1)
    infl0 = jnp.maximum(0.0, 1.0 - jnp.sqrt(d20 + EPS) / KERN_R)
    pk0 = jnp.einsum('bnsk,bnsc->bnkc', infl0, nf0)
    agg0 = leaky(jnp.einsum('bnkc,kcd->bnd', pk0, dw))
    offf = leaky(agg0 @ wde.T + bde)
    off = (offf @ wdoff.T + bdoff + ob).reshape(pts.shape[0], pts.shape[1], K, 3)
    dkp = kp[None, None, :, :] + off
    # main KPConv with deformed kernel points
    f1 = feats @ wb.T + bb
    nf1 = gather(f1, idx, 0.0)
    d21 = jnp.sum((rel[:, :, :, None, :] - dkp[:, :, None, :, :]) ** 2, -1)
    infl1 = jnp.maximum(0.0, 1.0 - jnp.sqrt(d21 + EPS) / KERN_R)
    pk1 = jnp.einsum('bnsk,bnsc->bnkc', infl1, nf1)
    out = leaky(jnp.einsum('bnkc,kcd->bnd', pk1, w))
    out = leaky(out @ we.T + be)
    return out

def setup_inputs(seed: int = 0):
    key = jax.random.key(seed)
    ks = jax.random.split(key, 10)
    s = 0.05
    return {
        'support_points': jax.random.uniform(ks[0], (B, 3, N), jnp.float32),
        'support_features': jax.random.normal(ks[1], (B, FEAT, N), jnp.float32),
        'weights': jax.random.normal(ks[2], (K, FEAT, KOD), jnp.float32) * s,
        'deformed_weights': jax.random.normal(ks[3], (K, FEAT, KOD), jnp.float32) * s,
        'W_db': jax.random.normal(ks[4], (KOD, FEAT), jnp.float32) * s,
        'b_db': jnp.zeros((KOD,), jnp.float32),
        'W_de': jax.random.normal(ks[5], (FEAT, KOD), jnp.float32) * s,
        'b_de': jnp.zeros((FEAT,), jnp.float32),
        'W_doff': jax.random.normal(ks[6], (3 * K, FEAT), jnp.float32) * 0.01,
        'b_doff': jnp.zeros((3 * K,), jnp.float32),
        'W_b': jax.random.normal(ks[7], (KOD, FEAT), jnp.float32) * s,
        'b_b': jnp.zeros((KOD,), jnp.float32),
        'W_e': jax.random.normal(ks[8], (KOD, KOD), jnp.float32) * s,
        'b_e': jnp.zeros((KOD,), jnp.float32),
        'offset_bias': jnp.zeros((3 * K,), jnp.float32),
        'kernel_points': jnp.asarray(make_kernel_points()),
    }

def reference(support_points, support_features, weights, deformed_weights, W_db, b_db, W_de, b_de, W_doff, b_doff, W_b, b_b, W_e, b_e, offset_bias, kernel_points):
    return _forward(support_points, support_features, weights, deformed_weights, W_db, b_db, W_de, b_de, W_doff, b_doff, W_b, b_b, W_e, b_e, offset_bias, kernel_points)

if __name__ == "__main__":
    import jax
    _d = setup_inputs()
    print(jax.jit(kernel)(*tuple(_d.values())))

</pallas_src>

<mosaic_0001>
#map = affine_map<(d0, d1) -> (0, 0)>
#map1 = affine_map<(d0, d1) -> (0, 0, 0)>
module attributes {stable_mosaic.version = 14 : i64} {
  func.func @_sc_gather_body(%arg0: i32, %arg1: i32, %arg2: memref<8194x128xf32, #tpu.memory_space<hbm>>, %arg3: memref<8194x128xf32, #tpu.memory_space<hbm>>, %arg4: memref<8194x128xf32, #tpu.memory_space<hbm>>, %arg5: memref<2048x128xi32, #tpu.memory_space<hbm>>, %arg6: memref<2048x128x128xf32, #tpu.memory_space<hbm>>, %arg7: memref<2048x128x128xf32, #tpu.memory_space<hbm>>, %arg8: memref<2048x128x128xf32, #tpu.memory_space<hbm>>, %arg9: memref<64x128xi32, #tpu.memory_space<vmem>>, %arg10: memref<2x128x128xf32, #tpu.memory_space<vmem>>, %arg11: memref<2x128x128xf32, #tpu.memory_space<vmem>>, %arg12: memref<!tpu.dma_semaphore, #tpu.memory_space<semaphore_mem>>, %arg13: memref<!tpu.dma_semaphore, #tpu.memory_space<semaphore_mem>>) attributes {dimension_semantics = [#tpu.dimension_semantics<core_parallel>, #tpu.dimension_semantics<subcore_parallel>], iteration_bounds = array<i64: 2, 16>, scalar_prefetch = 0 : i64, scratch_operands = 5 : i64, tpu.core_type = #tpu.core_type<sc_vector_subcore>, window_params = [{transform_indices = #map}, {transform_indices = #map}, {transform_indices = #map}, {transform_indices = #map}, {transform_indices = #map1}, {transform_indices = #map1}, {transform_indices = #map1}]} {
    %mul3A = arith.constant 2 : i32
    %mul3A_0 = arith.muli %arg1, %mul3A : i32
    %add3A = arith.addi %mul3A_0, %arg0 : i32
    %mul3A_1 = arith.constant 64 : i32
    %mul3A_2 = arith.muli %add3A, %mul3A_1 : i32
    "tpu.region"() ({
      %run_scoped3A = tpu.sem_alloc : memref<!tpu.dma_semaphore, #tpu.memory_space<semaphore_mem>>
      %dma_start3A_91 = arith.constant 0 : i32
      %dma_start3A_92 = tpu.memref_slice %arg5[%mul3A_2, %dma_start3A_91] : memref<2048x128xi32, #tpu.memory_space<hbm>> -> memref<64x128xi32, #tpu.memory_space<hbm>>
      %dma_start3A_93 = arith.constant 0 : i32
      %dma_start3A_94 = tpu.memref_slice %arg5[%mul3A_2, %dma_start3A_93] : memref<2048x128xi32, #tpu.memory_space<hbm>> -> memref<64x128xi32, #tpu.memory_space<hbm>>
      tpu.enqueue_dma source(%dma_start3A_94 : memref<64x128xi32, #tpu.memory_space<hbm>>) target(%arg9 : memref<64x128xi32, #tpu.memory_space<vmem>>) target_semaphore(%run_scoped3A : memref<!tpu.dma_semaphore, #tpu.memory_space<semaphore_mem>>)
      %dma_wait3A = arith.constant 0 : i32
      %dma_wait3A_95 = tpu.memref_slice %arg5[%mul3A_2, %dma_wait3A] : memref<2048x128xi32, #tpu.memory_space<hbm>> -> memref<64x128xi32, #tpu.memory_space<hbm>>
      %dma_wait3A_96 = arith.constant 0 : i32
      %dma_wait3A_97 = tpu.memref_slice %arg5[%mul3A_2, %dma_wait3A_96] : memref<2048x128xi32, #tpu.memory_space<hbm>> -> memref<64x128xi32, #tpu.memory_space<hbm>>
      tpu.wait_dma2 semaphore(%run_scoped3A : memref<!tpu.dma_semaphore, #tpu.memory_space<semaphore_mem>>) src(%dma_wait3A_97 : memref<64x128xi32, #tpu.memory_space<hbm>>) dst(%arg9 : memref<64x128xi32, #tpu.memory_space<vmem>>)
      tpu.yield
    }) : () -> ()
    %dma_start3A = arith.constant 0 : i32
    %dma_start3A_3 = arith.constant 0 : i32
    %dma_start3A_4 = arith.constant 0 : i32
    %dma_start3A_5 = arith.constant 0 : i32
    %dma_start3A_6 = tpu.memref_slice %arg10[%dma_start3A_3, %dma_start3A_4, %dma_start3A_5] : memref<2x128x128xf32, #tpu.memory_space<vmem>> -> memref<1x128x128xf32, #tpu.memory_space<vmem>>
    %dma_start3A_7 = tpu.memref_squeeze %dma_start3A_6 : memref<1x128x128xf32, #tpu.memory_space<vmem>> -> memref<128x128xf32, #tpu.memory_space<vmem>>
    %dma_start3A_8 = arith.constant 0 : i32
    %dma_start3A_9 = tpu.memref_slice %arg9[%dma_start3A, %dma_start3A_8] : memref<64x128xi32, #tpu.memory_space<vmem>> -> memref<1x128xi32, #tpu.memory_space<vmem>>
    %dma_start3A_10 = tpu.memref_squeeze %dma_start3A_9 : memref<1x128xi32, #tpu.memory_space<vmem>> -> memref<128xi32, #tpu.memory_space<vmem>>
    %dma_start3A_11 = arith.constant 0 : i32
    %dma_start3A_12 = arith.constant 0 : i32
    %dma_start3A_13 = tpu.memref_slice %arg2[%dma_start3A_11, %dma_start3A_12] : memref<8194x128xf32, #tpu.memory_space<hbm>> -> memref<8194x128xf32, #tpu.memory_space<hbm>>
    tpu.enqueue_indirect_dma source(%dma_start3A_13 : memref<8194x128xf32, #tpu.memory_space<hbm>>) target(%dma_start3A_7 : memref<128x128xf32, #tpu.memory_space<vmem>>) offsets(%dma_start3A_10 : memref<128xi32, #tpu.memory_space<vmem>>) semaphore(%arg12 : memref<!tpu.dma_semaphore, #tpu.memory_space<semaphore_mem>>)
    %dma_start3A_14 = arith.constant 1 : i32
    %dma_start3A_15 = arith.constant 1 : i32
    %dma_start3A_16 = arith.constant 0 : i32
    %dma_start3A_17 = arith.constant 0 : i32
    %dma_start3A_18 = tpu.memref_slice %arg10[%dma_start3A_15, %dma_start3A_16, %dma_start3A_17] : memref<2x128x128xf32, #tpu.memory_space<vmem>> -> memref<1x128x128xf32, #tpu.memory_space<vmem>>
    %dma_start3A_19 = tpu.memref_squeeze %dma_start3A_18 : memref<1x128x128xf32, #tpu.memory_space<vmem>> -> memref<128x128xf32, #tpu.memory_space<vmem>>
    %dma_start3A_20 = arith.constant 0 : i32
    %dma_start3A_21 = tpu.memref_slice %arg9[%dma_start3A_14, %dma_start3A_20] : memref<64x128xi32, #tpu.memory_space<vmem>> -> memref<1x128xi32, #tpu.memory_space<vmem>>
    %dma_start3A_22 = tpu.memref_squeeze %dma_start3A_21 : memref<1x128xi32, #tpu.memory_space<vmem>> -> memref<128xi32, #tpu.memory_space<vmem>>
    %dma_start3A_23 = arith.constant 0 : i32
    %dma_start3A_24 = arith.constant 0 : i32
    %dma_start3A_25 = tpu.memref_slice %arg2[%dma_start3A_23, %dma_start3A_24] : memref<8194x128xf32, #tpu.memory_space<hbm>> -> memref<8194x128xf32, #tpu.memory_space<hbm>>
    tpu.enqueue_indirect_dma source(%dma_start3A_25 : memref<8194x128xf32, #tpu.memory_space<hbm>>) target(%dma_start3A_19 : memref<128x128xf32, #tpu.memory_space<vmem>>) offsets(%dma_start3A_22 : memref<128xi32, #tpu.memory_space<vmem>>) semaphore(%arg12 : memref<!tpu.dma_semaphore, #tpu.memory_space<semaphore_mem>>)
    %scan3A = arith.constant 0 : i32
    %scan3A_26 = arith.constant 0 : i32
    %scan3A_27 = arith.constant 16 : i32
    %scan3A_28 = arith.addi %scan3A_26, %scan3A_27 : i32
    %scan3A_29 = arith.constant 1 : i32
    scf.for %scan3A_91 = %scan3A_26 to %scan3A_28 step %scan3A_29  : i32 {
      %mul3A_92 = arith.constant 2 : i32
      %mul3A_93 = arith.muli %mul3A_92, %scan3A_91 : i32
      %add3A_94 = arith.constant 1 : i32
      %add3A_95 = arith.addi %mul3A_93, %add3A_94 : i32
      %mul3A_96 = arith.constant 2 : i32
      %mul3A_97 = arith.muli %add3A_95, %mul3A_96 : i32
      %add3A_98 = arith.constant 0 : i32
      %add3A_99 = arith.addi %mul3A_97, %add3A_98 : i32
      %dma_start3A_100 = arith.constant 0 : i32
      %dma_start3A_101 = arith.constant 0 : i32
      %dma_start3A_102 = arith.constant 0 : i32
      %dma_start3A_103 = tpu.memref_slice %arg11[%dma_start3A_100, %dma_start3A_101, %dma_start3A_102] : memref<2x128x128xf32, #tpu.memory_space<vmem>> -> memref<1x128x128xf32, #tpu.memory_space<vmem>>
      %dma_start3A_104 = tpu.memref_squeeze %dma_start3A_103 : memref<1x128x128xf32, #tpu.memory_space<vmem>> -> memref<128x128xf32, #tpu.memory_space<vmem>>
      %dma_start3A_105 = arith.constant 0 : i32
      %dma_start3A_106 = tpu.memref_slice %arg9[%add3A_99, %dma_start3A_105] : memref<64x128xi32, #tpu.memory_space<vmem>> -> memref<1x128xi32, #tpu.memory_space<vmem>>
      %dma_start3A_107 = tpu.memref_squeeze %dma_start3A_106 : memref<1x128xi32, #tpu.memory_space<vmem>> -> memref<128xi32, #tpu.memory_space<vmem>>
      %dma_start3A_108 = arith.constant 0 : i32
      %dma_start3A_109 = arith.constant 0 : i32
      %dma_start3A_110 = tpu.memref_slice %arg2[%dma_start3A_108, %dma_start3A_109] : memref<8194x128xf32, #tpu.memory_space<hbm>> -> memref<8194x128xf32, #tpu.memory_space<hbm>>
      tpu.enqueue_indirect_dma source(%dma_start3A_110 : memref<8194x128xf32, #tpu.memory_space<hbm>>) target(%dma_start3A_104 : memref<128x128xf32, #tpu.memory_space<vmem>>) offsets(%dma_start3A_107 : memref<128xi32, #tpu.memory_space<vmem>>) semaphore(%arg13 : memref<!tpu.dma_semaphore, #tpu.memory_space<semaphore_mem>>)
      %mul3A_111 = arith.constant 2 : i32
      %mul3A_112 = arith.muli %add3A_95, %mul3A_111 : i32
      %add3A_113 = arith.constant 1 : i32
      %add3A_114 = arith.addi %mul3A_112, %add3A_113 : i32
      %dma_start3A_115 = arith.constant 1 : i32
      %dma_start3A_116 = arith.constant 0 : i32
      %dma_start3A_117 = arith.constant 0 : i32
      %dma_start3A_118 = tpu.memref_slice %arg11[%dma_start3A_115, %dma_start3A_116, %dma_start3A_117] : memref<2x128x128xf32, #tpu.memory_space<vmem>> -> memref<1x128x128xf32, #tpu.memory_space<vmem>>
      %dma_start3A_119 = tpu.memref_squeeze %dma_start3A_118 : memref<1x128x128xf32, #tpu.memory_space<vmem>> -> memref<128x128xf32, #tpu.memory_space<vmem>>
      %dma_start3A_120 = arith.constant 0 : i32
      %dma_start3A_121 = tpu.memref_slice %arg9[%add3A_114, %dma_start3A_120] : memref<64x128xi32, #tpu.memory_space<vmem>> -> memref<1x128xi32, #tpu.memory_space<vmem>>
      %dma_start3A_122 = tpu.memref_squeeze %dma_start3A_121 : memref<1x128xi32, #tpu.memory_space<vmem>> -> memref<128xi32, #tpu.memory_space<vmem>>
      %dma_start3A_123 = arith.constant 0 : i32
      %dma_start3A_124 = arith.constant 0 : i32
      %dma_start3A_125 = tpu.memref_slice %arg2[%dma_start3A_123, %dma_start3A_124] : memref<8194x128xf32, #tpu.memory_space<hbm>> -> memref<8194x128xf32, #tpu.memory_space<hbm>>
      tpu.enqueue_indirect_dma source(%dma_start3A_125 : memref<8194x128xf32, #tpu.memory_space<hbm>>) target(%dma_start3A_119 : memref<128x128xf32, #tpu.memory_space<vmem>>) offsets(%dma_start3A_122 : memref<128xi32, #tpu.memory_space<vmem>>) semaphore(%arg13 : memref<!tpu.dma_semaphore, #tpu.memory_space<semaphore_mem>>)
      %dma_wait3A = arith.constant 0 : i32
      %dma_wait3A_126 = arith.constant 0 : i32
      %dma_wait3A_127 = arith.constant 0 : i32
      %dma_wait3A_128 = tpu.memref_slice %arg6[%dma_wait3A, %dma_wait3A_126, %dma_wait3A_127] : memref<2048x128x128xf32, #tpu.memory_space<hbm>> -> memref<2x128x128xf32, #tpu.memory_space<hbm>>
      %dma_wait3A_129 = arith.constant 0 : i32
      %dma_wait3A_130 = arith.constant 0 : i32
      %dma_wait3A_131 = arith.constant 0 : i32
      %dma_wait3A_132 = tpu.memref_slice %arg6[%dma_wait3A_129, %dma_wait3A_130, %dma_wait3A_131] : memref<2048x128x128xf32, #tpu.memory_space<hbm>> -> memref<2x128x128xf32, #tpu.memory_space<hbm>>
      tpu.wait_dma2 semaphore(%arg12 : memref<!tpu.dma_semaphore, #tpu.memory_space<semaphore_mem>>) src(%dma_wait3A_132 : memref<2x128x128xf32, #tpu.memory_space<hbm>>) dst(%arg10 : memref<2x128x128xf32, #tpu.memory_space<vmem>>)
      %mul3A_133 = arith.constant 2 : i32
      %mul3A_134 = arith.muli %add3A, %mul3A_133 : i32
      %mul3A_135 = arith.constant 32 : i32
      %mul3A_136 = arith.muli %mul3A_134, %mul3A_135 : i32
      %mul3A_137 = arith.constant 2 : i32
      %mul3A_138 = arith.muli %mul3A_93, %mul3A_137 : i32
      %add3A_139 = arith.addi %mul3A_136, %mul3A_138 : i32
      "tpu.region"() ({
        %run_scoped3A = tpu.sem_alloc : memref<!tpu.dma_semaphore, #tpu.memory_space<semaphore_mem>>
        %dma_start3A_159 = arith.constant 0 : i32
        %dma_start3A_160 = arith.constant 0 : i32
        %dma_start3A_161 = tpu.memref_slice %arg6[%add3A_139, %dma_start3A_159, %dma_start3A_160] : memref<2048x128x128xf32, #tpu.memory_space<hbm>> -> memref<2x128x128xf32, #tpu.memory_space<hbm>>
        %dma_start3A_162 = arith.constant 0 : i32
        %dma_start3A_163 = arith.constant 0 : i32
        %dma_start3A_164 = tpu.memref_slice %arg6[%add3A_139, %dma_start3A_162, %dma_start3A_163] : memref<2048x128x128xf32, #tpu.memory_space<hbm>> -> memref<2x128x128xf32, #tpu.memory_space<hbm>>
        tpu.enqueue_dma source(%arg10 : memref<2x128x128xf32, #tpu.memory_space<vmem>>) target(%dma_start3A_164 : memref<2x128x128xf32, #tpu.memory_space<hbm>>) target_semaphore(%run_scoped3A : memref<!tpu.dma_semaphore, #tpu.memory_space<semaphore_mem>>)
        %dma_wait3A_165 = arith.constant 0 : i32
        %dma_wait3A_166 = arith.constant 0 : i32
        %dma_wait3A_167 = tpu.memref_slice %arg6[%add3A_139, %dma_wait3A_165, %dma_wait3A_166] : memref<2048x128x128xf32, #tpu.memory_space<hbm>> -> memref<2x128x128xf32, #tpu.memory_space<hbm>>
        %dma_wait3A_168 = arith.constant 0 : i32
        %dma_wait3A_169 = arith.constant 0 : i32
        %dma_wait3A_170 = tpu.memref_slice %arg6[%add3A_139, %dma_wait3A_168, %dma_wait3A_169] : memref<2048x128x128xf32, #tpu.memory_space<hbm>> -> memref<2x128x128xf32, #tpu.memory_space<hbm>>
        tpu.wait_dma2 semaphore(%run_scoped3A : memref<!tpu.dma_semaphore, #tpu.memory_space<semaphore_mem>>) src(%arg10 : memref<2x128x128xf32, #tpu.memory_space<vmem>>) dst(%dma_wait3A_170 : memref<2x128x128xf32, #tpu.memory_space<hbm>>)
        tpu.yield
      }) : () -> ()
      %lt3A = arith.constant 15 : i32
      %lt3A_140 = arith.cmpi slt, %scan3A_91, %lt3A : i32
      %convert_element_type3A = arith.extui %lt3A_140 : i1 to i32
      %cond3A = arith.constant 0 : i32
      %cond3A_141 = arith.cmpi ne, %convert_element_type3A, %cond3A : i32
      scf.if %cond3A_141 {
        %add3A_159 = arith.constant 2 : i32
        %add3A_160 = arith.addi %mul3A_93, %add3A_159 : i32
        %mul3A_161 = arith.constant 2 : i32
        %mul3A_162 = arith.muli %add3A_160, %mul3A_161 : i32
        %add3A_163 = arith.constant 0 : i32
        %add3A_164 = arith.addi %mul3A_162, %add3A_163 : i32
        %dma_start3A_165 = arith.constant 0 : i32
        %dma_start3A_166 = arith.constant 0 : i32
        %dma_start3A_167 = arith.constant 0 : i32
        %dma_start3A_168 = tpu.memref_slice %arg10[%dma_start3A_165, %dma_start3A_166, %dma_start3A_167] : memref<2x128x128xf32, #tpu.memory_space<vmem>> -> memref<1x128x128xf32, #tpu.memory_space<vmem>>
        %dma_start3A_169 = tpu.memref_squeeze %dma_start3A_168 : memref<1x128x128xf32, #tpu.memory_space<vmem>> -> memref<128x128xf32, #tpu.memory_space<vmem>>
        %dma_start3A_170 = arith.constant 0 : i32
        %dma_start3A_171 = tpu.memref_slice %arg9[%add3A_164, %dma_start3A_170] : memref<64x128xi32, #tpu.memory_space<vmem>> -> memref<1x128xi32, #tpu.memory_space<vmem>>
        %dma_start3A_172 = tpu.memref_squeeze %dma_start3A_171 : memref<1x128xi32, #tpu.memory_space<vmem>> -> memref<128xi32, #tpu.memory_space<vmem>>
        %dma_start3A_173 = arith.constant 0 : i32
        %dma_start3A_174 = arith.constant 0 : i32
        %dma_start3A_175 = tpu.memref_slice %arg2[%dma_start3A_173, %dma_start3A_174] : memref<8194x128xf32, #tpu.memory_space<hbm>> -> memref<8194x128xf32, #tpu.memory_space<hbm>>
        tpu.enqueue_indirect_dma source(%dma_start3A_175 : memref<8194x128xf32, #tpu.memory_space<hbm>>) target(%dma_start3A_169 : memref<128x128xf32, #tpu.memory_space<vmem>>) offsets(%dma_start3A_172 : memref<128xi32, #tpu.memory_space<vmem>>) semaphore(%arg12 : memref<!tpu.dma_semaphore, #tpu.memory_space<semaphore_mem>>)
        %mul3A_176 = arith.constant 2 : i32
        %mul3A_177 = arith.muli %add3A_160, %mul3A_176 : i32
        %add3A_178 = arith.constant 1 : i32
        %add3A_179 = arith.addi %mul3A_177, %add3A_178 : i32
        %dma_start3A_180 = arith.constant 1 : i32
        %dma_start3A_181 = arith.constant 0 : i32
        %dma_start3A_182 = arith.constant 0 : i32
        %dma_start3A_183 = tpu.memref_slice %arg10[%dma_start3A_180, %dma_start3A_181, %dma_start3A_182] : memref<2x128x128xf32, #tpu.memory_space<vmem>> -> memref<1x128x128xf32, #tpu.memory_space<vmem>>
        %dma_start3A_184 = tpu.memref_squeeze %dma_start3A_183 : memref<1x128x128xf32, #tpu.memory_space<vmem>> -> memref<128x128xf32, #tpu.memory_space<vmem>>
        %dma_start3A_185 = arith.constant 0 : i32
        %dma_start3A_186 = tpu.memref_slice %arg9[%add3A_179, %dma_start3A_185] : memref<64x128xi32, #tpu.memory_space<vmem>> -> memref<1x128xi32, #tpu.memory_space<vmem>>
        %dma_start3A_187 = tpu.memref_squeeze %dma_start3A_186 : memref<1x128xi32, #tpu.memory_space<vmem>> -> memref<128xi32, #tpu.memory_space<vmem>>
        %dma_start3A_188 = arith.constant 0 : i32
        %dma_start3A_189 = arith.constant 0 : i32
        %dma_start3A_190 = tpu.memref_slice %arg2[%dma_start3A_188, %dma_start3A_189] : memref<8194x128xf32, #tpu.memory_space<hbm>> -> memref<8194x128xf32, #tpu.memory_space<hbm>>
        tpu.enqueue_indirect_dma source(%dma_start3A_190 : memref<8194x128xf32, #tpu.memory_space<hbm>>) target(%dma_start3A_184 : memref<128x128xf32, #tpu.memory_space<vmem>>) offsets(%dma_start3A_187 : memref<128xi32, #tpu.memory_space<vmem>>) semaphore(%arg12 : memref<!tpu.dma_semaphore, #tpu.memory_space<semaphore_mem>>)
      } else {
      }
      %dma_wait3A_142 = arith.constant 0 : i32
      %dma_wait3A_143 = arith.constant 0 : i32
      %dma_wait3A_144 = arith.constant 0 : i32
      %dma_wait3A_145 = tpu.memref_slice %arg6[%dma_wait3A_142, %dma_wait3A_143, %dma_wait3A_144] : memref<2048x128x128xf32, #tpu.memory_space<hbm>> -> memref<2x128x128xf32, #tpu.memory_space<hbm>>
      %dma_wait3A_146 = arith.constant 0 : i32
      %dma_wait3A_147 = arith.constant 0 : i32
      %dma_wait3A_148 = arith.constant 0 : i32
      %dma_wait3A_149 = tpu.memref_slice %arg6[%dma_wait3A_146, %dma_wait3A_147, %dma_wait3A_148] : memref<2048x128x128xf32, #tpu.memory_space<hbm>> -> memref<2x128x128xf32, #tpu.memory_space<hbm>>
      tpu.wait_dma2 semaphore(%arg13 : memref<!tpu.dma_semaphore, #tpu.memory_space<semaphore_mem>>) src(%dma_wait3A_149 : memref<2x128x128xf32, #tpu.memory_space<hbm>>) dst(%arg11 : memref<2x128x128xf32, #tpu.memory_space<vmem>>)
      %mul3A_150 = arith.constant 2 : i32
      %mul3A_151 = arith.muli %add3A, %mul3A_150 : i32
      %mul3A_152 = arith.constant 32 : i32
      %mul3A_153 = arith.muli %mul3A_151, %mul3A_152 : i32
      %mul3A_154 = arith.constant 2 : i32
      %mul3A_155 = arith.muli %mul3A_93, %mul3A_154 : i32
      %add3A_156 = arith.addi %mul3A_153, %mul3A_155 : i32
      %add3A_157 = arith.constant 2 : i32
      %add3A_158 = arith.addi %add3A_156, %add3A_157 : i32
      "tpu.region"() ({
        %run_scoped3A = tpu.sem_alloc : memref<!tpu.dma_semaphore, #tpu.memory_space<semaphore_mem>>
        %dma_start3A_159 = arith.constant 0 : i32
        %dma_start3A_160 = arith.constant 0 : i32
        %dma_start3A_161 = tpu.memref_slice %arg6[%add3A_158, %dma_start3A_159, %dma_start3A_160] : memref<2048x128x128xf32, #tpu.memory_space<hbm>> -> memref<2x128x128xf32, #tpu.memory_space<hbm>>
        %dma_start3A_162 = arith.constant 0 : i32
        %dma_start3A_163 = arith.constant 0 : i32
        %dma_start3A_164 = tpu.memref_slice %arg6[%add3A_158, %dma_start3A_162, %dma_start3A_163] : memref<2048x128x128xf32, #tpu.memory_space<hbm>> -> memref<2x128x128xf32, #tpu.memory_space<hbm>>
        tpu.enqueue_dma source(%arg11 : memref<2x128x128xf32, #tpu.memory_space<vmem>>) target(%dma_start3A_164 : memref<2x128x128xf32, #tpu.memory_space<hbm>>) target_semaphore(%run_scoped3A : memref<!tpu.dma_semaphore, #tpu.memory_space<semaphore_mem>>)
        %dma_wait3A_165 = arith.constant 0 : i32
        %dma_wait3A_166 = arith.constant 0 : i32
        %dma_wait3A_167 = tpu.memref_slice %arg6[%add3A_158, %dma_wait3A_165, %dma_wait3A_166] : memref<2048x128x128xf32, #tpu.memory_space<hbm>> -> memref<2x128x128xf32, #tpu.memory_space<hbm>>
        %dma_wait3A_168 = arith.constant 0 : i32
        %dma_wait3A_169 = arith.constant 0 : i32
        %dma_wait3A_170 = tpu.memref_slice %arg6[%add3A_158, %dma_wait3A_168, %dma_wait3A_169] : memref<2048x128x128xf32, #tpu.memory_space<hbm>> -> memref<2x128x128xf32, #tpu.memory_space<hbm>>
        tpu.wait_dma2 semaphore(%run_scoped3A : memref<!tpu.dma_semaphore, #tpu.memory_space<semaphore_mem>>) src(%arg11 : memref<2x128x128xf32, #tpu.memory_space<vmem>>) dst(%dma_wait3A_170 : memref<2x128x128xf32, #tpu.memory_space<hbm>>)
        tpu.yield
      }) : () -> ()
    }
    %scan3A_30 = arith.constant 16 : i32
    %dma_start3A_31 = arith.constant 0 : i32
    %dma_start3A_32 = arith.constant 0 : i32
    %dma_start3A_33 = arith.constant 0 : i32
    %dma_start3A_34 = arith.constant 0 : i32
    %dma_start3A_35 = tpu.memref_slice %arg10[%dma_start3A_32, %dma_start3A_33, %dma_start3A_34] : memref<2x128x128xf32, #tpu.memory_space<vmem>> -> memref<1x128x128xf32, #tpu.memory_space<vmem>>
    %dma_start3A_36 = tpu.memref_squeeze %dma_start3A_35 : memref<1x128x128xf32, #tpu.memory_space<vmem>> -> memref<128x128xf32, #tpu.memory_space<vmem>>
    %dma_start3A_37 = arith.constant 0 : i32
    %dma_start3A_38 = tpu.memref_slice %arg9[%dma_start3A_31, %dma_start3A_37] : memref<64x128xi32, #tpu.memory_space<vmem>> -> memref<1x128xi32, #tpu.memory_space<vmem>>
    %dma_start3A_39 = tpu.memref_squeeze %dma_start3A_38 : memref<1x128xi32, #tpu.memory_space<vmem>> -> memref<128xi32, #tpu.memory_space<vmem>>
    %dma_start3A_40 = arith.constant 0 : i32
    %dma_start3A_41 = arith.constant 0 : i32
    %dma_start3A_42 = tpu.memref_slice %arg3[%dma_start3A_40, %dma_start3A_41] : memref<8194x128xf32, #tpu.memory_space<hbm>> -> memref<8194x128xf32, #tpu.memory_space<hbm>>
    tpu.enqueue_indirect_dma source(%dma_start3A_42 : memref<8194x128xf32, #tpu.memory_space<hbm>>) target(%dma_start3A_36 : memref<128x128xf32, #tpu.memory_space<vmem>>) offsets(%dma_start3A_39 : memref<128xi32, #tpu.memory_space<vmem>>) semaphore(%arg12 : memref<!tpu.dma_semaphore, #tpu.memory_space<semaphore_mem>>)
    %dma_start3A_43 = arith.constant 1 : i32
    %dma_start3A_44 = arith.constant 1 : i32
    %dma_start3A_45 = arith.constant 0 : i32
    %dma_start3A_46 = arith.constant 0 : i32
    %dma_start3A_47 = tpu.memref_slice %arg10[%dma_start3A_44, %dma_start3A_45, %dma_start3A_46] : memref<2x128x128xf32, #tpu.memory_space<vmem>> -> memref<1x128x128xf32, #tpu.memory_space<vmem>>
    %dma_start3A_48 = tpu.memref_squeeze %dma_start3A_47 : memref<1x128x128xf32, #tpu.memory_space<vmem>> -> memref<128x128xf32, #tpu.memory_space<vmem>>
    %dma_start3A_49 = arith.constant 0 : i32
    %dma_start3A_50 = tpu.memref_slice %arg9[%dma_start3A_43, %dma_start3A_49] : memref<64x128xi32, #tpu.memory_space<vmem>> -> memref<1x128xi32, #tpu.memory_space<vmem>>
    %dma_start3A_51 = tpu.memref_squeeze %dma_start3A_50 : memref<1x128xi32, #tpu.memory_space<vmem>> -> memref<128xi32, #tpu.memory_space<vmem>>
    %dma_start3A_52 = arith.constant 0 : i32
    %dma_start3A_53 = arith.constant 0 : i32
    %dma_start3A_54 = tpu.memref_slice %arg3[%dma_start3A_52, %dma_start3A_53] : memref<8194x128xf32, #tpu.memory_space<hbm>> -> memref<8194x128xf32, #tpu.memory_space<hbm>>
    tpu.enqueue_indirect_dma source(%dma_start3A_54 : memref<8194x128xf32, #tpu.memory_space<hbm>>) target(%dma_start3A_48 : memref<128x128xf32, #tpu.memory_space<vmem>>) offsets(%dma_start3A_51 : memref<128xi32, #tpu.memory_space<vmem>>) semaphore(%arg12 : memref<!tpu.dma_semaphore, #tpu.memory_space<semaphore_mem>>)
    %scan3A_55 = arith.constant 0 : i32
    %scan3A_56 = arith.constant 0 : i32
    %scan3A_57 = arith.constant 16 : i32
    %scan3A_58 = arith.addi %scan3A_56, %scan3A_57 : i32
    %scan3A_59 = arith.constant 1 : i32
    scf.for %scan3A_91 = %scan3A_56 to %scan3A_58 step %scan3A_59  : i32 {
      %mul3A_92 = arith.constant 2 : i32
      %mul3A_93 = arith.muli %mul3A_92, %scan3A_91 : i32
      %add3A_94 = arith.constant 1 : i32
      %add3A_95 = arith.addi %mul3A_93, %add3A_94 : i32
      %mul3A_96 = arith.constant 2 : i32
      %mul3A_97 = arith.muli %add3A_95, %mul3A_96 : i32
      %add3A_98 = arith.constant 0 : i32
      %add3A_99 = arith.addi %mul3A_97, %add3A_98 : i32
      %dma_start3A_100 = arith.constant 0 : i32
      %dma_start3A_101 = arith.constant 0 : i32
      %dma_start3A_102 = arith.constant 0 : i32
      %dma_start3A_103 = tpu.memref_slice %arg11[%dma_start3A_100, %dma_start3A_101, %dma_start3A_102] : memref<2x128x128xf32, #tpu.memory_space<vmem>> -> memref<1x128x128xf32, #tpu.memory_space<vmem>>
      %dma_start3A_104 = tpu.memref_squeeze %dma_start3A_103 : memref<1x128x128xf32, #tpu.memory_space<vmem>> -> memref<128x128xf32, #tpu.memory_space<vmem>>
      %dma_start3A_105 = arith.constant 0 : i32
      %dma_start3A_106 = tpu.memref_slice %arg9[%add3A_99, %dma_start3A_105] : memref<64x128xi32, #tpu.memory_space<vmem>> -> memref<1x128xi32, #tpu.memory_space<vmem>>
      %dma_start3A_107 = tpu.memref_squeeze %dma_start3A_106 : memref<1x128xi32, #tpu.memory_space<vmem>> -> memref<128xi32, #tpu.memory_space<vmem>>
      %dma_start3A_108 = arith.constant 0 : i32
      %dma_start3A_109 = arith.constant 0 : i32
      %dma_start3A_110 = tpu.memref_slice %arg3[%dma_start3A_108, %dma_start3A_109] : memref<8194x128xf32, #tpu.memory_space<hbm>> -> memref<8194x128xf32, #tpu.memory_space<hbm>>
      tpu.enqueue_indirect_dma source(%dma_start3A_110 : memref<8194x128xf32, #tpu.memory_space<hbm>>) target(%dma_start3A_104 : memref<128x128xf32, #tpu.memory_space<vmem>>) offsets(%dma_start3A_107 : memref<128xi32, #tpu.memory_space<vmem>>) semaphore(%arg13 : memref<!tpu.dma_semaphore, #tpu.memory_space<semaphore_mem>>)
      %mul3A_111 = arith.constant 2 : i32
      %mul3A_112 = arith.muli %add3A_95, %mul3A_111 : i32
      %add3A_113 = arith.constant 1 : i32
      %add3A_114 = arith.addi %mul3A_112, %add3A_113 : i32
      %dma_start3A_115 = arith.constant 1 : i32
      %dma_start3A_116 = arith.constant 0 : i32
      %dma_start3A_117 = arith.constant 0 : i32
      %dma_start3A_118 = tpu.memref_slice %arg11[%dma_start3A_115, %dma_start3A_116, %dma_start3A_117] : memref<2x128x128xf32, #tpu.memory_space<vmem>> -> memref<1x128x128xf32, #tpu.memory_space<vmem>>
      %dma_start3A_119 = tpu.memref_squeeze %dma_start3A_118 : memref<1x128x128xf32, #tpu.memory_space<vmem>> -> memref<128x128xf32, #tpu.memory_space<vmem>>
      %dma_start3A_120 = arith.constant 0 : i32
      %dma_start3A_121 = tpu.memref_slice %arg9[%add3A_114, %dma_start3A_120] : memref<64x128xi32, #tpu.memory_space<vmem>> -> memref<1x128xi32, #tpu.memory_space<vmem>>
      %dma_start3A_122 = tpu.memref_squeeze %dma_start3A_121 : memref<1x128xi32, #tpu.memory_space<vmem>> -> memref<128xi32, #tpu.memory_space<vmem>>
      %dma_start3A_123 = arith.constant 0 : i32
      %dma_start3A_124 = arith.constant 0 : i32
      %dma_start3A_125 = tpu.memref_slice %arg3[%dma_start3A_123, %dma_start3A_124] : memref<8194x128xf32, #tpu.memory_space<hbm>> -> memref<8194x128xf32, #tpu.memory_space<hbm>>
      tpu.enqueue_indirect_dma source(%dma_start3A_125 : memref<8194x128xf32, #tpu.memory_space<hbm>>) target(%dma_start3A_119 : memref<128x128xf32, #tpu.memory_space<vmem>>) offsets(%dma_start3A_122 : memref<128xi32, #tpu.memory_space<vmem>>) semaphore(%arg13 : memref<!tpu.dma_semaphore, #tpu.memory_space<semaphore_mem>>)
      %dma_wait3A = arith.constant 0 : i32
      %dma_wait3A_126 = arith.constant 0 : i32
      %dma_wait3A_127 = arith.constant 0 : i32
      %dma_wait3A_128 = tpu.memref_slice %arg7[%dma_wait3A, %dma_wait3A_126, %dma_wait3A_127] : memref<2048x128x128xf32, #tpu.memory_space<hbm>> -> memref<2x128x128xf32, #tpu.memory_space<hbm>>
      %dma_wait3A_129 = arith.constant 0 : i32
      %dma_wait3A_130 = arith.constant 0 : i32
      %dma_wait3A_131 = arith.constant 0 : i32
      %dma_wait3A_132 = tpu.memref_slice %arg7[%dma_wait3A_129, %dma_wait3A_130, %dma_wait3A_131] : memref<2048x128x128xf32, #tpu.memory_space<hbm>> -> memref<2x128x128xf32, #tpu.memory_space<hbm>>
      tpu.wait_dma2 semaphore(%arg12 : memref<!tpu.dma_semaphore, #tpu.memory_space<semaphore_mem>>) src(%dma_wait3A_132 : memref<2x128x128xf32, #tpu.memory_space<hbm>>) dst(%arg10 : memref<2x128x128xf32, #tpu.memory_space<vmem>>)
      %mul3A_133 = arith.constant 2 : i32
      %mul3A_134 = arith.muli %add3A, %mul3A_133 : i32
      %mul3A_135 = arith.constant 32 : i32
      %mul3A_136 = arith.muli %mul3A_134, %mul3A_135 : i32
      %mul3A_137 = arith.constant 2 : i32
      %mul3A_138 = arith.muli %mul3A_93, %mul3A_137 : i32
      %add3A_139 = arith.addi %mul3A_136, %mul3A_138 : i32
      "tpu.region"() ({
        %run_scoped3A = tpu.sem_alloc : memref<!tpu.dma_semaphore, #tpu.memory_space<semaphore_mem>>
        %dma_start3A_159 = arith.constant 0 : i32
        %dma_start3A_160 = arith.constant 0 : i32
        %dma_start3A_161 = tpu.memref_slice %arg7[%add3A_139, %dma_start3A_159, %dma_start3A_160] : memref<2048x128x128xf32, #tpu.memory_space<hbm>> -> memref<2x128x128xf32, #tpu.memory_space<hbm>>
        %dma_start3A_162 = arith.constant 0 : i32
        %dma_start3A_163 = arith.constant 0 : i32
        %dma_start3A_164 = tpu.memref_slice %arg7[%add3A_139, %dma_start3A_162, %dma_start3A_163] : memref<2048x128x128xf32, #tpu.memory_space<hbm>> -> memref<2x128x128xf32, #tpu.memory_space<hbm>>
        tpu.enqueue_dma source(%arg10 : memref<2x128x128xf32, #tpu.memory_space<vmem>>) target(%dma_start3A_164 : memref<2x128x128xf32, #tpu.memory_space<hbm>>) target_semaphore(%run_scoped3A : memref<!tpu.dma_semaphore, #tpu.memory_space<semaphore_mem>>)
        %dma_wait3A_165 = arith.constant 0 : i32
        %dma_wait3A_166 = arith.constant 0 : i32
        %dma_wait3A_167 = tpu.memref_slice %arg7[%add3A_139, %dma_wait3A_165, %dma_wait3A_166] : memref<2048x128x128xf32, #tpu.memory_space<hbm>> -> memref<2x128x128xf32, #tpu.memory_space<hbm>>
        %dma_wait3A_168 = arith.constant 0 : i32
        %dma_wait3A_169 = arith.constant 0 : i32
        %dma_wait3A_170 = tpu.memref_slice %arg7[%add3A_139, %dma_wait3A_168, %dma_wait3A_169] : memref<2048x128x128xf32, #tpu.memory_space<hbm>> -> memref<2x128x128xf32, #tpu.memory_space<hbm>>
        tpu.wait_dma2 semaphore(%run_scoped3A : memref<!tpu.dma_semaphore, #tpu.memory_space<semaphore_mem>>) src(%arg10 : memref<2x128x128xf32, #tpu.memory_space<vmem>>) dst(%dma_wait3A_170 : memref<2x128x128xf32, #tpu.memory_space<hbm>>)
        tpu.yield
      }) : () -> ()
      %lt3A = arith.constant 15 : i32
      %lt3A_140 = arith.cmpi slt, %scan3A_91, %lt3A : i32
      %convert_element_type3A = arith.extui %lt3A_140 : i1 to i32
      %cond3A = arith.constant 0 : i32
      %cond3A_141 = arith.cmpi ne, %convert_element_type3A, %cond3A : i32
      scf.if %cond3A_141 {
        %add3A_159 = arith.constant 2 : i32
        %add3A_160 = arith.addi %mul3A_93, %add3A_159 : i32
        %mul3A_161 = arith.constant 2 : i32
        %mul3A_162 = arith.muli %add3A_160, %mul3A_161 : i32
        %add3A_163 = arith.constant 0 : i32
        %add3A_164 = arith.addi %mul3A_162, %add3A_163 : i32
        %dma_start3A_165 = arith.constant 0 : i32
        %dma_start3A_166 = arith.constant 0 : i32
        %dma_start3A_167 = arith.constant 0 : i32
        %dma_start3A_168 = tpu.memref_slice %arg10[%dma_start3A_165, %dma_start3A_166, %dma_start3A_167] : memref<2x128x128xf32, #tpu.memory_space<vmem>> -> memref<1x128x128xf32, #tpu.memory_space<vmem>>
        %dma_start3A_169 = tpu.memref_squeeze %dma_start3A_168 : memref<1x128x128xf32, #tpu.memory_space<vmem>> -> memref<128x128xf32, #tpu.memory_space<vmem>>
        %dma_start3A_170 = arith.constant 0 : i32
        %dma_start3A_171 = tpu.memref_slice %arg9[%add3A_164, %dma_start3A_170] : memref<64x128xi32, #tpu.memory_space<vmem>> -> memref<1x128xi32, #tpu.memory_space<vmem>>
        %dma_start3A_172 = tpu.memref_squeeze %dma_start3A_171 : memref<1x128xi32, #tpu.memory_space<vmem>> -> memref<128xi32, #tpu.memory_space<vmem>>
        %dma_start3A_173 = arith.constant 0 : i32
        %dma_start3A_174 = arith.constant 0 : i32
        %dma_start3A_175 = tpu.memref_slice %arg3[%dma_start3A_173, %dma_start3A_174] : memref<8194x128xf32, #tpu.memory_space<hbm>> -> memref<8194x128xf32, #tpu.memory_space<hbm>>
        tpu.enqueue_indirect_dma source(%dma_start3A_175 : memref<8194x128xf32, #tpu.memory_space<hbm>>) target(%dma_start3A_169 : memref<128x128xf32, #tpu.memory_space<vmem>>) offsets(%dma_start3A_172 : memref<128xi32, #tpu.memory_space<vmem>>) semaphore(%arg12 : memref<!tpu.dma_semaphore, #tpu.memory_space<semaphore_mem>>)
        %mul3A_176 = arith.constant 2 : i32
        %mul3A_177 = arith.muli %add3A_160, %mul3A_176 : i32
        %add3A_178 = arith.constant 1 : i32
        %add3A_179 = arith.addi %mul3A_177, %add3A_178 : i32
        %dma_start3A_180 = arith.constant 1 : i32
        %dma_start3A_181 = arith.constant 0 : i32
        %dma_start3A_182 = arith.constant 0 : i32
        %dma_start3A_183 = tpu.memref_slice %arg10[%dma_start3A_180, %dma_start3A_181, %dma_start3A_182] : memref<2x128x128xf32, #tpu.memory_space<vmem>> -> memref<1x128x128xf32, #tpu.memory_space<vmem>>
        %dma_start3A_184 = tpu.memref_squeeze %dma_start3A_183 : memref<1x128x128xf32, #tpu.memory_space<vmem>> -> memref<128x128xf32, #tpu.memory_space<vmem>>
        %dma_start3A_185 = arith.constant 0 : i32
        %dma_start3A_186 = tpu.memref_slice %arg9[%add3A_179, %dma_start3A_185] : memref<64x128xi32, #tpu.memory_space<vmem>> -> memref<1x128xi32, #tpu.memory_space<vmem>>
        %dma_start3A_187 = tpu.memref_squeeze %dma_start3A_186 : memref<1x128xi32, #tpu.memory_space<vmem>> -> memref<128xi32, #tpu.memory_space<vmem>>
        %dma_start3A_188 = arith.constant 0 : i32
        %dma_start3A_189 = arith.constant 0 : i32
        %dma_start3A_190 = tpu.memref_slice %arg3[%dma_start3A_188, %dma_start3A_189] : memref<8194x128xf32, #tpu.memory_space<hbm>> -> memref<8194x128xf32, #tpu.memory_space<hbm>>
        tpu.enqueue_indirect_dma source(%dma_start3A_190 : memref<8194x128xf32, #tpu.memory_space<hbm>>) target(%dma_start3A_184 : memref<128x128xf32, #tpu.memory_space<vmem>>) offsets(%dma_start3A_187 : memref<128xi32, #tpu.memory_space<vmem>>) semaphore(%arg12 : memref<!tpu.dma_semaphore, #tpu.memory_space<semaphore_mem>>)
      } else {
      }
      %dma_wait3A_142 = arith.constant 0 : i32
      %dma_wait3A_143 = arith.constant 0 : i32
      %dma_wait3A_144 = arith.constant 0 : i32
      %dma_wait3A_145 = tpu.memref_slice %arg7[%dma_wait3A_142, %dma_wait3A_143, %dma_wait3A_144] : memref<2048x128x128xf32, #tpu.memory_space<hbm>> -> memref<2x128x128xf32, #tpu.memory_space<hbm>>
      %dma_wait3A_146 = arith.constant 0 : i32
      %dma_wait3A_147 = arith.constant 0 : i32
      %dma_wait3A_148 = arith.constant 0 : i32
      %dma_wait3A_149 = tpu.memref_slice %arg7[%dma_wait3A_146, %dma_wait3A_147, %dma_wait3A_148] : memref<2048x128x128xf32, #tpu.memory_space<hbm>> -> memref<2x128x128xf32, #tpu.memory_space<hbm>>
      tpu.wait_dma2 semaphore(%arg13 : memref<!tpu.dma_semaphore, #tpu.memory_space<semaphore_mem>>) src(%dma_wait3A_149 : memref<2x128x128xf32, #tpu.memory_space<hbm>>) dst(%arg11 : memref<2x128x128xf32, #tpu.memory_space<vmem>>)
      %mul3A_150 = arith.constant 2 : i32
      %mul3A_151 = arith.muli %add3A, %mul3A_150 : i32
      %mul3A_152 = arith.constant 32 : i32
      %mul3A_153 = arith.muli %mul3A_151, %mul3A_152 : i32
      %mul3A_154 = arith.constant 2 : i32
      %mul3A_155 = arith.muli %mul3A_93, %mul3A_154 : i32
      %add3A_156 = arith.addi %mul3A_153, %mul3A_155 : i32
      %add3A_157 = arith.constant 2 : i32
      %add3A_158 = arith.addi %add3A_156, %add3A_157 : i32
      "tpu.region"() ({
        %run_scoped3A = tpu.sem_alloc : memref<!tpu.dma_semaphore, #tpu.memory_space<semaphore_mem>>
        %dma_start3A_159 = arith.constant 0 : i32
        %dma_start3A_160 = arith.constant 0 : i32
        %dma_start3A_161 = tpu.memref_slice %arg7[%add3A_158, %dma_start3A_159, %dma_start3A_160] : memref<2048x128x128xf32, #tpu.memory_space<hbm>> -> memref<2x128x128xf32, #tpu.memory_space<hbm>>
        %dma_start3A_162 = arith.constant 0 : i32
        %dma_start3A_163 = arith.constant 0 : i32
        %dma_start3A_164 = tpu.memref_slice %arg7[%add3A_158, %dma_start3A_162, %dma_start3A_163] : memref<2048x128x128xf32, #tpu.memory_space<hbm>> -> memref<2x128x128xf32, #tpu.memory_space<hbm>>
        tpu.enqueue_dma source(%arg11 : memref<2x128x128xf32, #tpu.memory_space<vmem>>) target(%dma_start3A_164 : memref<2x128x128xf32, #tpu.memory_space<hbm>>) target_semaphore(%run_scoped3A : memref<!tpu.dma_semaphore, #tpu.memory_space<semaphore_mem>>)
        %dma_wait3A_165 = arith.constant 0 : i32
        %dma_wait3A_166 = arith.constant 0 : i32
        %dma_wait3A_167 = tpu.memref_slice %arg7[%add3A_158, %dma_wait3A_165, %dma_wait3A_166] : memref<2048x128x128xf32, #tpu.memory_space<hbm>> -> memref<2x128x128xf32, #tpu.memory_space<hbm>>
        %dma_wait3A_168 = arith.constant 0 : i32
        %dma_wait3A_169 = arith.constant 0 : i32
        %dma_wait3A_170 = tpu.memref_slice %arg7[%add3A_158, %dma_wait3A_168, %dma_wait3A_169] : memref<2048x128x128xf32, #tpu.memory_space<hbm>> -> memref<2x128x128xf32, #tpu.memory_space<hbm>>
        tpu.wait_dma2 semaphore(%run_scoped3A : memref<!tpu.dma_semaphore, #tpu.memory_space<semaphore_mem>>) src(%arg11 : memref<2x128x128xf32, #tpu.memory_space<vmem>>) dst(%dma_wait3A_170 : memref<2x128x128xf32, #tpu.memory_space<hbm>>)
        tpu.yield
      }) : () -> ()
    }
    %scan3A_60 = arith.constant 16 : i32
    %dma_start3A_61 = arith.constant 0 : i32
    %dma_start3A_62 = arith.constant 0 : i32
    %dma_start3A_63 = arith.constant 0 : i32
    %dma_start3A_64 = arith.constant 0 : i32
    %dma_start3A_65 = tpu.memref_slice %arg10[%dma_start3A_62, %dma_start3A_63, %dma_start3A_64] : memref<2x128x128xf32, #tpu.memory_space<vmem>> -> memref<1x128x128xf32, #tpu.memory_space<vmem>>
    %dma_start3A_66 = tpu.memref_squeeze %dma_start3A_65 : memref<1x128x128xf32, #tpu.memory_space<vmem>> -> memref<128x128xf32, #tpu.memory_space<vmem>>
    %dma_start3A_67 = arith.constant 0 : i32
    %dma_start3A_68 = tpu.memref_slice %arg9[%dma_start3A_61, %dma_start3A_67] : memref<64x128xi32, #tpu.memory_space<vmem>> -> memref<1x128xi32, #tpu.memory_space<vmem>>
    %dma_start3A_69 = tpu.memref_squeeze %dma_start3A_68 : memref<1x128xi32, #tpu.memory_space<vmem>> -> memref<128xi32, #tpu.memory_space<vmem>>
    %dma_start3A_70 = arith.constant 0 : i32
    %dma_start3A_71 = arith.constant 0 : i32
    %dma_start3A_72 = tpu.memref_slice %arg4[%dma_start3A_70, %dma_start3A_71] : memref<8194x128xf32, #tpu.memory_space<hbm>> -> memref<8194x128xf32, #tpu.memory_space<hbm>>
    tpu.enqueue_indirect_dma source(%dma_start3A_72 : memref<8194x128xf32, #tpu.memory_space<hbm>>) target(%dma_start3A_66 : memref<128x128xf32, #tpu.memory_space<vmem>>) offsets(%dma_start3A_69 : memref<128xi32, #tpu.memory_space<vmem>>) semaphore(%arg12 : memref<!tpu.dma_semaphore, #tpu.memory_space<semaphore_mem>>)
    %dma_start3A_73 = arith.constant 1 : i32
    %dma_start3A_74 = arith.constant 1 : i32
    %dma_start3A_75 = arith.constant 0 : i32
    %dma_start3A_76 = arith.constant 0 : i32
    %dma_start3A_77 = tpu.memref_slice %arg10[%dma_start3A_74, %dma_start3A_75, %dma_start3A_76] : memref<2x128x128xf32, #tpu.memory_space<vmem>> -> memref<1x128x128xf32, #tpu.memory_space<vmem>>
    %dma_start3A_78 = tpu.memref_squeeze %dma_start3A_77 : memref<1x128x128xf32, #tpu.memory_space<vmem>> -> memref<128x128xf32, #tpu.memory_space<vmem>>
    %dma_start3A_79 = arith.constant 0 : i32
    %dma_start3A_80 = tpu.memref_slice %arg9[%dma_start3A_73, %dma_start3A_79] : memref<64x128xi32, #tpu.memory_space<vmem>> -> memref<1x128xi32, #tpu.memory_space<vmem>>
    %dma_start3A_81 = tpu.memref_squeeze %dma_start3A_80 : memref<1x128xi32, #tpu.memory_space<vmem>> -> memref<128xi32, #tpu.memory_space<vmem>>
    %dma_start3A_82 = arith.constant 0 : i32
    %dma_start3A_83 = arith.constant 0 : i32
    %dma_start3A_84 = tpu.memref_slice %arg4[%dma_start3A_82, %dma_start3A_83] : memref<8194x128xf32, #tpu.memory_space<hbm>> -> memref<8194x128xf32, #tpu.memory_space<hbm>>
    tpu.enqueue_indirect_dma source(%dma_start3A_84 : memref<8194x128xf32, #tpu.memory_space<hbm>>) target(%dma_start3A_78 : memref<128x128xf32, #tpu.memory_space<vmem>>) offsets(%dma_start3A_81 : memref<128xi32, #tpu.memory_space<vmem>>) semaphore(%arg12 : memref<!tpu.dma_semaphore, #tpu.memory_space<semaphore_mem>>)
    %scan3A_85 = arith.constant 0 : i32
    %scan3A_86 = arith.constant 0 : i32
    %scan3A_87 = arith.constant 16 : i32
    %scan3A_88 = arith.addi %scan3A_86, %scan3A_87 : i32
    %scan3A_89 = arith.constant 1 : i32
    scf.for %scan3A_91 = %scan3A_86 to %scan3A_88 step %scan3A_89  : i32 {
      %mul3A_92 = arith.constant 2 : i32
      %mul3A_93 = arith.muli %mul3A_92, %scan3A_91 : i32
      %add3A_94 = arith.constant 1 : i32
      %add3A_95 = arith.addi %mul3A_93, %add3A_94 : i32
      %mul3A_96 = arith.constant 2 : i32
      %mul3A_97 = arith.muli %add3A_95, %mul3A_96 : i32
      %add3A_98 = arith.constant 0 : i32
      %add3A_99 = arith.addi %mul3A_97, %add3A_98 : i32
      %dma_start3A_100 = arith.constant 0 : i32
      %dma_start3A_101 = arith.constant 0 : i32
      %dma_start3A_102 = arith.constant 0 : i32
      %dma_start3A_103 = tpu.memref_slice %arg11[%dma_start3A_100, %dma_start3A_101, %dma_start3A_102] : memref<2x128x128xf32, #tpu.memory_space<vmem>> -> memref<1x128x128xf32, #tpu.memory_space<vmem>>
      %dma_start3A_104 = tpu.memref_squeeze %dma_start3A_103 : memref<1x128x128xf32, #tpu.memory_space<vmem>> -> memref<128x128xf32, #tpu.memory_space<vmem>>
      %dma_start3A_105 = arith.constant 0 : i32
      %dma_start3A_106 = tpu.memref_slice %arg9[%add3A_99, %dma_start3A_105] : memref<64x128xi32, #tpu.memory_space<vmem>> -> memref<1x128xi32, #tpu.memory_space<vmem>>
      %dma_start3A_107 = tpu.memref_squeeze %dma_start3A_106 : memref<1x128xi32, #tpu.memory_space<vmem>> -> memref<128xi32, #tpu.memory_space<vmem>>
      %dma_start3A_108 = arith.constant 0 : i32
      %dma_start3A_109 = arith.constant 0 : i32
      %dma_start3A_110 = tpu.memref_slice %arg4[%dma_start3A_108, %dma_start3A_109] : memref<8194x128xf32, #tpu.memory_space<hbm>> -> memref<8194x128xf32, #tpu.memory_space<hbm>>
      tpu.enqueue_indirect_dma source(%dma_start3A_110 : memref<8194x128xf32, #tpu.memory_space<hbm>>) target(%dma_start3A_104 : memref<128x128xf32, #tpu.memory_space<vmem>>) offsets(%dma_start3A_107 : memref<128xi32, #tpu.memory_space<vmem>>) semaphore(%arg13 : memref<!tpu.dma_semaphore, #tpu.memory_space<semaphore_mem>>)
      %mul3A_111 = arith.constant 2 : i32
      %mul3A_112 = arith.muli %add3A_95, %mul3A_111 : i32
      %add3A_113 = arith.constant 1 : i32
      %add3A_114 = arith.addi %mul3A_112, %add3A_113 : i32
      %dma_start3A_115 = arith.constant 1 : i32
      %dma_start3A_116 = arith.constant 0 : i32
      %dma_start3A_117 = arith.constant 0 : i32
      %dma_start3A_118 = tpu.memref_slice %arg11[%dma_start3A_115, %dma_start3A_116, %dma_start3A_117] : memref<2x128x128xf32, #tpu.memory_space<vmem>> -> memref<1x128x128xf32, #tpu.memory_space<vmem>>
      %dma_start3A_119 = tpu.memref_squeeze %dma_start3A_118 : memref<1x128x128xf32, #tpu.memory_space<vmem>> -> memref<128x128xf32, #tpu.memory_space<vmem>>
      %dma_start3A_120 = arith.constant 0 : i32
      %dma_start3A_121 = tpu.memref_slice %arg9[%add3A_114, %dma_start3A_120] : memref<64x128xi32, #tpu.memory_space<vmem>> -> memref<1x128xi32, #tpu.memory_space<vmem>>
      %dma_start3A_122 = tpu.memref_squeeze %dma_start3A_121 : memref<1x128xi32, #tpu.memory_space<vmem>> -> memref<128xi32, #tpu.memory_space<vmem>>
      %dma_start3A_123 = arith.constant 0 : i32
      %dma_start3A_124 = arith.constant 0 : i32
      %dma_start3A_125 = tpu.memref_slice %arg4[%dma_start3A_123, %dma_start3A_124] : memref<8194x128xf32, #tpu.memory_space<hbm>> -> memref<8194x128xf32, #tpu.memory_space<hbm>>
      tpu.enqueue_indirect_dma source(%dma_start3A_125 : memref<8194x128xf32, #tpu.memory_space<hbm>>) target(%dma_start3A_119 : memref<128x128xf32, #tpu.memory_space<vmem>>) offsets(%dma_start3A_122 : memref<128xi32, #tpu.memory_space<vmem>>) semaphore(%arg13 : memref<!tpu.dma_semaphore, #tpu.memory_space<semaphore_mem>>)
      %dma_wait3A = arith.constant 0 : i32
      %dma_wait3A_126 = arith.constant 0 : i32
      %dma_wait3A_127 = arith.constant 0 : i32
      %dma_wait3A_128 = tpu.memref_slice %arg8[%dma_wait3A, %dma_wait3A_126, %dma_wait3A_127] : memref<2048x128x128xf32, #tpu.memory_space<hbm>> -> memref<2x128x128xf32, #tpu.memory_space<hbm>>
      %dma_wait3A_129 = arith.constant 0 : i32
      %dma_wait3A_130 = arith.constant 0 : i32
      %dma_wait3A_131 = arith.constant 0 : i32
      %dma_wait3A_132 = tpu.memref_slice %arg8[%dma_wait3A_129, %dma_wait3A_130, %dma_wait3A_131] : memref<2048x128x128xf32, #tpu.memory_space<hbm>> -> memref<2x128x128xf32, #tpu.memory_space<hbm>>
      tpu.wait_dma2 semaphore(%arg12 : memref<!tpu.dma_semaphore, #tpu.memory_space<semaphore_mem>>) src(%dma_wait3A_132 : memref<2x128x128xf32, #tpu.memory_space<hbm>>) dst(%arg10 : memref<2x128x128xf32, #tpu.memory_space<vmem>>)
      %mul3A_133 = arith.constant 2 : i32
      %mul3A_134 = arith.muli %add3A, %mul3A_133 : i32
      %mul3A_135 = arith.constant 32 : i32
      %mul3A_136 = arith.muli %mul3A_134, %mul3A_135 : i32
      %mul3A_137 = arith.constant 2 : i32
      %mul3A_138 = arith.muli %mul3A_93, %mul3A_137 : i32
      %add3A_139 = arith.addi %mul3A_136, %mul3A_138 : i32
      "tpu.region"() ({
        %run_scoped3A = tpu.sem_alloc : memref<!tpu.dma_semaphore, #tpu.memory_space<semaphore_mem>>
        %dma_start3A_159 = arith.constant 0 : i32
        %dma_start3A_160 = arith.constant 0 : i32
        %dma_start3A_161 = tpu.memref_slice %arg8[%add3A_139, %dma_start3A_159, %dma_start3A_160] : memref<2048x128x128xf32, #tpu.memory_space<hbm>> -> memref<2x128x128xf32, #tpu.memory_space<hbm>>
        %dma_start3A_162 = arith.constant 0 : i32
        %dma_start3A_163 = arith.constant 0 : i32
        %dma_start3A_164 = tpu.memref_slice %arg8[%add3A_139, %dma_start3A_162, %dma_start3A_163] : memref<2048x128x128xf32, #tpu.memory_space<hbm>> -> memref<2x128x128xf32, #tpu.memory_space<hbm>>
        tpu.enqueue_dma source(%arg10 : memref<2x128x128xf32, #tpu.memory_space<vmem>>) target(%dma_start3A_164 : memref<2x128x128xf32, #tpu.memory_space<hbm>>) target_semaphore(%run_scoped3A : memref<!tpu.dma_semaphore, #tpu.memory_space<semaphore_mem>>)
        %dma_wait3A_165 = arith.constant 0 : i32
        %dma_wait3A_166 = arith.constant 0 : i32
        %dma_wait3A_167 = tpu.memref_slice %arg8[%add3A_139, %dma_wait3A_165, %dma_wait3A_166] : memref<2048x128x128xf32, #tpu.memory_space<hbm>> -> memref<2x128x128xf32, #tpu.memory_space<hbm>>
        %dma_wait3A_168 = arith.constant 0 : i32
        %dma_wait3A_169 = arith.constant 0 : i32
        %dma_wait3A_170 = tpu.memref_slice %arg8[%add3A_139, %dma_wait3A_168, %dma_wait3A_169] : memref<2048x128x128xf32, #tpu.memory_space<hbm>> -> memref<2x128x128xf32, #tpu.memory_space<hbm>>
        tpu.wait_dma2 semaphore(%run_scoped3A : memref<!tpu.dma_semaphore, #tpu.memory_space<semaphore_mem>>) src(%arg10 : memref<2x128x128xf32, #tpu.memory_space<vmem>>) dst(%dma_wait3A_170 : memref<2x128x128xf32, #tpu.memory_space<hbm>>)
        tpu.yield
      }) : () -> ()
      %lt3A = arith.constant 15 : i32
      %lt3A_140 = arith.cmpi slt, %scan3A_91, %lt3A : i32
      %convert_element_type3A = arith.extui %lt3A_140 : i1 to i32
      %cond3A = arith.constant 0 : i32
      %cond3A_141 = arith.cmpi ne, %convert_element_type3A, %cond3A : i32
      scf.if %cond3A_141 {
        %add3A_159 = arith.constant 2 : i32
        %add3A_160 = arith.addi %mul3A_93, %add3A_159 : i32
        %mul3A_161 = arith.constant 2 : i32
        %mul3A_162 = arith.muli %add3A_160, %mul3A_161 : i32
        %add3A_163 = arith.constant 0 : i32
        %add3A_164 = arith.addi %mul3A_162, %add3A_163 : i32
        %dma_start3A_165 = arith.constant 0 : i32
        %dma_start3A_166 = arith.constant 0 : i32
        %dma_start3A_167 = arith.constant 0 : i32
        %dma_start3A_168 = tpu.memref_slice %arg10[%dma_start3A_165, %dma_start3A_166, %dma_start3A_167] : memref<2x128x128xf32, #tpu.memory_space<vmem>> -> memref<1x128x128xf32, #tpu.memory_space<vmem>>
        %dma_start3A_169 = tpu.memref_squeeze %dma_start3A_168 : memref<1x128x128xf32, #tpu.memory_space<vmem>> -> memref<128x128xf32, #tpu.memory_space<vmem>>
        %dma_start3A_170 = arith.constant 0 : i32
        %dma_start3A_171 = tpu.memref_slice %arg9[%add3A_164, %dma_start3A_170] : memref<64x128xi32, #tpu.memory_space<vmem>> -> memref<1x128xi32, #tpu.memory_space<vmem>>
        %dma_start3A_172 = tpu.memref_squeeze %dma_start3A_171 : memref<1x128xi32, #tpu.memory_space<vmem>> -> memref<128xi32, #tpu.memory_space<vmem>>
        %dma_start3A_173 = arith.constant 0 : i32
        %dma_start3A_174 = arith.constant 0 : i32
        %dma_start3A_175 = tpu.memref_slice %arg4[%dma_start3A_173, %dma_start3A_174] : memref<8194x128xf32, #tpu.memory_space<hbm>> -> memref<8194x128xf32, #tpu.memory_space<hbm>>
        tpu.enqueue_indirect_dma source(%dma_start3A_175 : memref<8194x128xf32, #tpu.memory_space<hbm>>) target(%dma_start3A_169 : memref<128x128xf32, #tpu.memory_space<vmem>>) offsets(%dma_start3A_172 : memref<128xi32, #tpu.memory_space<vmem>>) semaphore(%arg12 : memref<!tpu.dma_semaphore, #tpu.memory_space<semaphore_mem>>)
        %mul3A_176 = arith.constant 2 : i32
        %mul3A_177 = arith.muli %add3A_160, %mul3A_176 : i32
        %add3A_178 = arith.constant 1 : i32
        %add3A_179 = arith.addi %mul3A_177, %add3A_178 : i32
        %dma_start3A_180 = arith.constant 1 : i32
        %dma_start3A_181 = arith.constant 0 : i32
        %dma_start3A_182 = arith.constant 0 : i32
        %dma_start3A_183 = tpu.memref_slice %arg10[%dma_start3A_180, %dma_start3A_181, %dma_start3A_182] : memref<2x128x128xf32, #tpu.memory_space<vmem>> -> memref<1x128x128xf32, #tpu.memory_space<vmem>>
        %dma_start3A_184 = tpu.memref_squeeze %dma_start3A_183 : memref<1x128x128xf32, #tpu.memory_space<vmem>> -> memref<128x128xf32, #tpu.memory_space<vmem>>
        %dma_start3A_185 = arith.constant 0 : i32
        %dma_start3A_186 = tpu.memref_slice %arg9[%add3A_179, %dma_start3A_185] : memref<64x128xi32, #tpu.memory_space<vmem>> -> memref<1x128xi32, #tpu.memory_space<vmem>>
        %dma_start3A_187 = tpu.memref_squeeze %dma_start3A_186 : memref<1x128xi32, #tpu.memory_space<vmem>> -> memref<128xi32, #tpu.memory_space<vmem>>
        %dma_start3A_188 = arith.constant 0 : i32
        %dma_start3A_189 = arith.constant 0 : i32
        %dma_start3A_190 = tpu.memref_slice %arg4[%dma_start3A_188, %dma_start3A_189] : memref<8194x128xf32, #tpu.memory_space<hbm>> -> memref<8194x128xf32, #tpu.memory_space<hbm>>
        tpu.enqueue_indirect_dma source(%dma_start3A_190 : memref<8194x128xf32, #tpu.memory_space<hbm>>) target(%dma_start3A_184 : memref<128x128xf32, #tpu.memory_space<vmem>>) offsets(%dma_start3A_187 : memref<128xi32, #tpu.memory_space<vmem>>) semaphore(%arg12 : memref<!tpu.dma_semaphore, #tpu.memory_space<semaphore_mem>>)
      } else {
      }
      %dma_wait3A_142 = arith.constant 0 : i32
      %dma_wait3A_143 = arith.constant 0 : i32
      %dma_wait3A_144 = arith.constant 0 : i32
      %dma_wait3A_145 = tpu.memref_slice %arg8[%dma_wait3A_142, %dma_wait3A_143, %dma_wait3A_144] : memref<2048x128x128xf32, #tpu.memory_space<hbm>> -> memref<2x128x128xf32, #tpu.memory_space<hbm>>
      %dma_wait3A_146 = arith.constant 0 : i32
      %dma_wait3A_147 = arith.constant 0 : i32
      %dma_wait3A_148 = arith.constant 0 : i32
      %dma_wait3A_149 = tpu.memref_slice %arg8[%dma_wait3A_146, %dma_wait3A_147, %dma_wait3A_148] : memref<2048x128x128xf32, #tpu.memory_space<hbm>> -> memref<2x128x128xf32, #tpu.memory_space<hbm>>
      tpu.wait_dma2 semaphore(%arg13 : memref<!tpu.dma_semaphore, #tpu.memory_space<semaphore_mem>>) src(%dma_wait3A_149 : memref<2x128x128xf32, #tpu.memory_space<hbm>>) dst(%arg11 : memref<2x128x128xf32, #tpu.memory_space<vmem>>)
      %mul3A_150 = arith.constant 2 : i32
      %mul3A_151 = arith.muli %add3A, %mul3A_150 : i32
      %mul3A_152 = arith.constant 32 : i32
      %mul3A_153 = arith.muli %mul3A_151, %mul3A_152 : i32
      %mul3A_154 = arith.constant 2 : i32
      %mul3A_155 = arith.muli %mul3A_93, %mul3A_154 : i32
      %add3A_156 = arith.addi %mul3A_153, %mul3A_155 : i32
      %add3A_157 = arith.constant 2 : i32
      %add3A_158 = arith.addi %add3A_156, %add3A_157 : i32
      "tpu.region"() ({
        %run_scoped3A = tpu.sem_alloc : memref<!tpu.dma_semaphore, #tpu.memory_space<semaphore_mem>>
        %dma_start3A_159 = arith.constant 0 : i32
        %dma_start3A_160 = arith.constant 0 : i32
        %dma_start3A_161 = tpu.memref_slice %arg8[%add3A_158, %dma_start3A_159, %dma_start3A_160] : memref<2048x128x128xf32, #tpu.memory_space<hbm>> -> memref<2x128x128xf32, #tpu.memory_space<hbm>>
        %dma_start3A_162 = arith.constant 0 : i32
        %dma_start3A_163 = arith.constant 0 : i32
        %dma_start3A_164 = tpu.memref_slice %arg8[%add3A_158, %dma_start3A_162, %dma_start3A_163] : memref<2048x128x128xf32, #tpu.memory_space<hbm>> -> memref<2x128x128xf32, #tpu.memory_space<hbm>>
        tpu.enqueue_dma source(%arg11 : memref<2x128x128xf32, #tpu.memory_space<vmem>>) target(%dma_start3A_164 : memref<2x128x128xf32, #tpu.memory_space<hbm>>) target_semaphore(%run_scoped3A : memref<!tpu.dma_semaphore, #tpu.memory_space<semaphore_mem>>)
        %dma_wait3A_165 = arith.constant 0 : i32
        %dma_wait3A_166 = arith.constant 0 : i32
        %dma_wait3A_167 = tpu.memref_slice %arg8[%add3A_158, %dma_wait3A_165, %dma_wait3A_166] : memref<2048x128x128xf32, #tpu.memory_space<hbm>> -> memref<2x128x128xf32, #tpu.memory_space<hbm>>
        %dma_wait3A_168 = arith.constant 0 : i32
        %dma_wait3A_169 = arith.constant 0 : i32
        %dma_wait3A_170 = tpu.memref_slice %arg8[%add3A_158, %dma_wait3A_168, %dma_wait3A_169] : memref<2048x128x128xf32, #tpu.memory_space<hbm>> -> memref<2x128x128xf32, #tpu.memory_space<hbm>>
        tpu.wait_dma2 semaphore(%run_scoped3A : memref<!tpu.dma_semaphore, #tpu.memory_space<semaphore_mem>>) src(%arg11 : memref<2x128x128xf32, #tpu.memory_space<vmem>>) dst(%dma_wait3A_170 : memref<2x128x128xf32, #tpu.memory_space<hbm>>)
        tpu.yield
      }) : () -> ()
    }
    %scan3A_90 = arith.constant 16 : i32
    return
  }
}

module attributes {stable_mosaic.version = 14 : i64} {
  func.func @_bq_body(%arg0: i32, %arg1: i32, %arg2: memref<1x256x3xf32, #tpu.memory_space<vmem>>, %arg3: memref<1x3x4096xf32, #tpu.memory_space<vmem>>, %arg4: memref<1x256x32xi32, #tpu.memory_space<vmem>>) attributes {dimension_semantics = [#tpu.dimension_semantics<arbitrary>, #tpu.dimension_semantics<arbitrary>], iteration_bounds = array<i64: 2, 16>, scalar_prefetch = 0 : i64, scratch_operands = 0 : i64, tpu.core_type = #tpu.core_type<tc>, window_params = [{transform_indices = @transform_0, window_bounds = array<i64: 1, 256, 3>}, {transform_indices = @transform_1, window_bounds = array<i64: 1, 3, 4096>}, {transform_indices = @transform_2, window_bounds = array<i64: 1, 256, 32>}]} {
    %get3A = arith.constant 0 : index
    %get3A_0 = arith.constant 0 : index
    %get3A_1 = arith.constant 0 : index
    %get3A_2 = vector.load %arg2[%get3A, %get3A_0, %get3A_1] : memref<1x256x3xf32, #tpu.memory_space<vmem>>, vector<1x256x3xf32>
    %get3A_3 = vector.shape_cast %get3A_2 : vector<1x256x3xf32> to vector<256x3xf32>
    %slice3A = vector.extract_strided_slice %get3A_3 {offsets = [0, 0], sizes = [256, 1], strides = [1, 1]} : vector<256x3xf32> to vector<256x1xf32>
    %slice3A_4 = vector.extract_strided_slice %get3A_3 {offsets = [0, 1], sizes = [256, 1], strides = [1, 1]} : vector<256x3xf32> to vector<256x1xf32>
    %slice3A_5 = vector.extract_strided_slice %get3A_3 {offsets = [0, 2], sizes = [256, 1], strides = [1, 1]} : vector<256x3xf32> to vector<256x1xf32>
    %get3A_6 = arith.constant 0 : index
    %get3A_7 = arith.constant 0 : index
    %get3A_8 = arith.constant 0 : index
    %get3A_9 = vector.load %arg3[%get3A_6, %get3A_7, %get3A_8] : memref<1x3x4096xf32, #tpu.memory_space<vmem>>, vector<1x3x4096xf32>
    %get3A_10 = vector.shape_cast %get3A_9 : vector<1x3x4096xf32> to vector<3x4096xf32>
    %slice3A_11 = vector.extract_strided_slice %get3A_10 {offsets = [0, 0], sizes = [1, 4096], strides = [1, 1]} : vector<3x4096xf32> to vector<1x4096xf32>
    %slice3A_12 = vector.extract_strided_slice %get3A_10 {offsets = [1, 0], sizes = [1, 4096], strides = [1, 1]} : vector<3x4096xf32> to vector<1x4096xf32>
    %slice3A_13 = vector.extract_strided_slice %get3A_10 {offsets = [2, 0], sizes = [1, 4096], strides = [1, 1]} : vector<3x4096xf32> to vector<1x4096xf32>
    %mul3A = arith.mulf %slice3A, %slice3A : vector<256x1xf32>
    %mul3A_14 = arith.mulf %slice3A_4, %slice3A_4 : vector<256x1xf32>
    %add3A = arith.addf %mul3A, %mul3A_14 : vector<256x1xf32>
    %mul3A_15 = arith.mulf %slice3A_5, %slice3A_5 : vector<256x1xf32>
    %add3A_16 = arith.addf %add3A, %mul3A_15 : vector<256x1xf32>
    %mul3A_17 = arith.mulf %slice3A_11, %slice3A_11 : vector<1x4096xf32>
    %mul3A_18 = arith.mulf %slice3A_12, %slice3A_12 : vector<1x4096xf32>
    %add3A_19 = arith.addf %mul3A_17, %mul3A_18 : vector<1x4096xf32>
    %mul3A_20 = arith.mulf %slice3A_13, %slice3A_13 : vector<1x4096xf32>
    %add3A_21 = arith.addf %add3A_19, %mul3A_20 : vector<1x4096xf32>
    %convert_element_type3A = arith.truncf %slice3A : vector<256x1xf32> to vector<256x1xbf16>
    %convert_element_type3A_22 = arith.extf %convert_element_type3A : vector<256x1xbf16> to vector<256x1xf32>
    %convert_element_type3A_23 = arith.truncf %slice3A_11 : vector<1x4096xf32> to vector<1x4096xbf16>
    %convert_element_type3A_24 = arith.extf %convert_element_type3A_23 : vector<1x4096xbf16> to vector<1x4096xf32>
    %mul3A_25 = vector.broadcast %convert_element_type3A_22 : vector<256x1xf32> to vector<256x4096xf32>
    %mul3A_26 = vector.broadcast %convert_element_type3A_24 : vector<1x4096xf32> to vector<256x4096xf32>
    %mul3A_27 = arith.mulf %mul3A_25, %mul3A_26 : vector<256x4096xf32>
    %convert_element_type3A_28 = arith.truncf %slice3A_4 : vector<256x1xf32> to vector<256x1xbf16>
    %convert_element_type3A_29 = arith.extf %convert_element_type3A_28 : vector<256x1xbf16> to vector<256x1xf32>
    %convert_element_type3A_30 = arith.truncf %slice3A_12 : vector<1x4096xf32> to vector<1x4096xbf16>
    %convert_element_type3A_31 = arith.extf %convert_element_type3A_30 : vector<1x4096xbf16> to vector<1x4096xf32>
    %mul3A_32 = vector.broadcast %convert_element_type3A_29 : vector<256x1xf32> to vector<256x4096xf32>
    %mul3A_33 = vector.broadcast %convert_element_type3A_31 : vector<1x4096xf32> to vector<256x4096xf32>
    %mul3A_34 = arith.mulf %mul3A_32, %mul3A_33 : vector<256x4096xf32>
    %add3A_35 = arith.addf %mul3A_27, %mul3A_34 : vector<256x4096xf32>
    %convert_element_type3A_36 = arith.truncf %slice3A_5 : vector<256x1xf32> to vector<256x1xbf16>
    %convert_element_type3A_37 = arith.extf %convert_element_type3A_36 : vector<256x1xbf16> to vector<256x1xf32>
    %convert_element_type3A_38 = arith.truncf %slice3A_13 : vector<1x4096xf32> to vector<1x4096xbf16>
    %convert_element_type3A_39 = arith.extf %convert_element_type3A_38 : vector<1x4096xbf16> to vector<1x4096xf32>
    %mul3A_40 = vector.broadcast %convert_element_type3A_37 : vector<256x1xf32> to vector<256x4096xf32>
    %mul3A_41 = vector.broadcast %convert_element_type3A_39 : vector<1x4096xf32> to vector<256x4096xf32>
    %mul3A_42 = arith.mulf %mul3A_40, %mul3A_41 : vector<256x4096xf32>
    %add3A_43 = arith.addf %add3A_35, %mul3A_42 : vector<256x4096xf32>
    %add3A_44 = vector.broadcast %add3A_16 : vector<256x1xf32> to vector<256x4096xf32>
    %add3A_45 = vector.broadcast %add3A_21 : vector<1x4096xf32> to vector<256x4096xf32>
    %add3A_46 = arith.addf %add3A_44, %add3A_45 : vector<256x4096xf32>
    %mul3A_47 = arith.constant 2.000000e+00 : f32
    %mul3A_48 = vector.broadcast %mul3A_47 : f32 to vector<256x4096xf32>
    %mul3A_49 = arith.mulf %mul3A_48, %add3A_43 : vector<256x4096xf32>
    %sub3A = arith.subf %add3A_46, %mul3A_49 : vector<256x4096xf32>
    %iota3A = tpu.iota {dimensions = array<i32: 1>} : vector<256x4096xi32>
    %convert_element_type3A_50 = arith.sitofp %iota3A : vector<256x4096xi32> to vector<256x4096xf32>
    %le3A = arith.constant 1.562500e-02 : f32
    %le3A_51 = vector.broadcast %le3A : f32 to vector<256x4096xf32>
    %le3A_52 = arith.cmpf ole, %sub3A, %le3A_51 : vector<256x4096xf32>
    %jit3A = arith.constant 4.096000e+03 : f32
    %broadcast_in_dim3A = vector.broadcast %jit3A : f32 to vector<256x4096xf32>
    %select_n3A = arith.select %le3A_52, %convert_element_type3A_50, %broadcast_in_dim3A : vector<256x4096xi1>, vector<256x4096xf32>
    %reduce_min3A = arith.constant dense<0x7F800000> : vector<256xf32>
    %reduce_min3A_53 = vector.multi_reduction <minimumf>, %select_n3A, %reduce_min3A [1] : vector<256x4096xf32> to vector<256xf32>
    %broadcast_in_dim3A_54 = vector.shape_cast %reduce_min3A_53 : vector<256xf32> to vector<256x1xf32>
    %eq3A = vector.broadcast %broadcast_in_dim3A_54 : vector<256x1xf32> to vector<256x4096xf32>
    %eq3A_55 = arith.cmpf oeq, %select_n3A, %eq3A : vector<256x4096xf32>
    %jit3A_56 = arith.constant 4.096000e+03 : f32
    %broadcast_in_dim3A_57 = vector.broadcast %jit3A_56 : f32 to vector<256x4096xf32>
    %select_n3A_58 = arith.select %eq3A_55, %broadcast_in_dim3A_57, %select_n3A : vector<256x4096xi1>, vector<256x4096xf32>
    %reduce_min3A_59 = arith.constant dense<0x7F800000> : vector<256xf32>
    %reduce_min3A_60 = vector.multi_reduction <minimumf>, %select_n3A_58, %reduce_min3A_59 [1] : vector<256x4096xf32> to vector<256xf32>
    %broadcast_in_dim3A_61 = vector.shape_cast %reduce_min3A_60 : vector<256xf32> to vector<256x1xf32>
    %eq3A_62 = vector.broadcast %broadcast_in_dim3A_61 : vector<256x1xf32> to vector<256x4096xf32>
    %eq3A_63 = arith.cmpf oeq, %select_n3A_58, %eq3A_62 : vector<256x4096xf32>
    %jit3A_64 = arith.constant 4.096000e+03 : f32
    %broadcast_in_dim3A_65 = vector.broadcast %jit3A_64 : f32 to vector<256x4096xf32>
    %select_n3A_66 = arith.select %eq3A_63, %broadcast_in_dim3A_65, %select_n3A_58 : vector<256x4096xi1>, vector<256x4096xf32>
    %reduce_min3A_67 = arith.constant dense<0x7F800000> : vector<256xf32>
    %reduce_min3A_68 = vector.multi_reduction <minimumf>, %select_n3A_66, %reduce_min3A_67 [1] : vector<256x4096xf32> to vector<256xf32>
    %broadcast_in_dim3A_69 = vector.shape_cast %reduce_min3A_68 : vector<256xf32> to vector<256x1xf32>
    %eq3A_70 = vector.broadcast %broadcast_in_dim3A_69 : vector<256x1xf32> to vector<256x4096xf32>
    %eq3A_71 = arith.cmpf oeq, %select_n3A_66, %eq3A_70 : vector<256x4096xf32>
    %jit3A_72 = arith.constant 4.096000e+03 : f32
    %broadcast_in_dim3A_73 = vector.broadcast %jit3A_72 : f32 to vector<256x4096xf32>
    %select_n3A_74 = arith.select %eq3A_71, %broadcast_in_dim3A_73, %select_n3A_66 : vector<256x4096xi1>, vector<256x4096xf32>
    %reduce_min3A_75 = arith.constant dense<0x7F800000> : vector<256xf32>
    %reduce_min3A_76 = vector.multi_reduction <minimumf>, %select_n3A_74, %reduce_min3A_75 [1] : vector<256x4096xf32> to vector<256xf32>
    %broadcast_in_dim3A_77 = vector.shape_cast %reduce_min3A_76 : vector<256xf32> to vector<256x1xf32>
    %eq3A_78 = vector.broadcast %broadcast_in_dim3A_77 : vector<256x1xf32> to vector<256x4096xf32>
    %eq3A_79 = arith.cmpf oeq, %select_n3A_74, %eq3A_78 : vector<256x4096xf32>
    %jit3A_80 = arith.constant 4.096000e+03 : f32
    %broadcast_in_dim3A_81 = vector.broadcast %jit3A_80 : f32 to vector<256x4096xf32>
    %select_n3A_82 = arith.select %eq3A_79, %broadcast_in_dim3A_81, %select_n3A_74 : vector<256x4096xi1>, vector<256x4096xf32>
    %reduce_min3A_83 = arith.constant dense<0x7F800000> : vector<256xf32>
    %reduce_min3A_84 = vector.multi_reduction <minimumf>, %select_n3A_82, %reduce_min3A_83 [1] : vector<256x4096xf32> to vector<256xf32>
    %broadcast_in_dim3A_85 = vector.shape_cast %reduce_min3A_84 : vector<256xf32> to vector<256x1xf32>
    %eq3A_86 = vector.broadcast %broadcast_in_dim3A_85 : vector<256x1xf32> to vector<256x4096xf32>
    %eq3A_87 = arith.cmpf oeq, %select_n3A_82, %eq3A_86 : vector<256x4096xf32>
    %jit3A_88 = arith.constant 4.096000e+03 : f32
    %broadcast_in_dim3A_89 = vector.broadcast %jit3A_88 : f32 to vector<256x4096xf32>
    %select_n3A_90 = arith.select %eq3A_87, %broadcast_in_dim3A_89, %select_n3A_82 : vector<256x4096xi1>, vector<256x4096xf32>
    %reduce_min3A_91 = arith.constant dense<0x7F800000> : vector<256xf32>
    %reduce_min3A_92 = vector.multi_reduction <minimumf>, %select_n3A_90, %reduce_min3A_91 [1] : vector<256x4096xf32> to vector<256xf32>
    %broadcast_in_dim3A_93 = vector.shape_cast %reduce_min3A_92 : vector<256xf32> to vector<256x1xf32>
    %eq3A_94 = vector.broadcast %broadcast_in_dim3A_93 : vector<256x1xf32> to vector<256x4096xf32>
    %eq3A_95 = arith.cmpf oeq, %select_n3A_90, %eq3A_94 : vector<256x4096xf32>
    %jit3A_96 = arith.constant 4.096000e+03 : f32
    %broadcast_in_dim3A_97 = vector.broadcast %jit3A_96 : f32 to vector<256x4096xf32>
    %select_n3A_98 = arith.select %eq3A_95, %broadcast_in_dim3A_97, %select_n3A_90 : vector<256x4096xi1>, vector<256x4096xf32>
    %reduce_min3A_99 = arith.constant dense<0x7F800000> : vector<256xf32>
    %reduce_min3A_100 = vector.multi_reduction <minimumf>, %select_n3A_98, %reduce_min3A_99 [1] : vector<256x4096xf32> to vector<256xf32>
    %broadcast_in_dim3A_101 = vector.shape_cast %reduce_min3A_100 : vector<256xf32> to vector<256x1xf32>
    %eq3A_102 = vector.broadcast %broadcast_in_dim3A_101 : vector<256x1xf32> to vector<256x4096xf32>
    %eq3A_103 = arith.cmpf oeq, %select_n3A_98, %eq3A_102 : vector<256x4096xf32>
    %jit3A_104 = arith.constant 4.096000e+03 : f32
    %broadcast_in_dim3A_105 = vector.broadcast %jit3A_104 : f32 to vector<256x4096xf32>
    %select_n3A_106 = arith.select %eq3A_103, %broadcast_in_dim3A_105, %select_n3A_98 : vector<256x4096xi1>, vector<256x4096xf32>
    %reduce_min3A_107 = arith.constant dense<0x7F800000> : vector<256xf32>
    %reduce_min3A_108 = vector.multi_reduction <minimumf>, %select_n3A_106, %reduce_min3A_107 [1] : vector<256x4096xf32> to vector<256xf32>
    %broadcast_in_dim3A_109 = vector.shape_cast %reduce_min3A_108 : vector<256xf32> to vector<256x1xf32>
    %eq3A_110 = vector.broadcast %broadcast_in_dim3A_109 : vector<256x1xf32> to vector<256x4096xf32>
    %eq3A_111 = arith.cmpf oeq, %select_n3A_106, %eq3A_110 : vector<256x4096xf32>
    %jit3A_112 = arith.constant 4.096000e+03 : f32
    %broadcast_in_dim3A_113 = vector.broadcast %jit3A_112 : f32 to vector<256x4096xf32>
    %select_n3A_114 = arith.select %eq3A_111, %broadcast_in_dim3A_113, %select_n3A_106 : vector<256x4096xi1>, vector<256x4096xf32>
    %reduce_min3A_115 = arith.constant dense<0x7F800000> : vector<256xf32>
    %reduce_min3A_116 = vector.multi_reduction <minimumf>, %select_n3A_114, %reduce_min3A_115 [1] : vector<256x4096xf32> to vector<256xf32>
    %broadcast_in_dim3A_117 = vector.shape_cast %reduce_min3A_116 : vector<256xf32> to vector<256x1xf32>
    %eq3A_118 = vector.broadcast %broadcast_in_dim3A_117 : vector<256x1xf32> to vector<256x4096xf32>
    %eq3A_119 = arith.cmpf oeq, %select_n3A_114, %eq3A_118 : vector<256x4096xf32>
    %jit3A_120 = arith.constant 4.096000e+03 : f32
    %broadcast_in_dim3A_121 = vector.broadcast %jit3A_120 : f32 to vector<256x4096xf32>
    %select_n3A_122 = arith.select %eq3A_119, %broadcast_in_dim3A_121, %select_n3A_114 : vector<256x4096xi1>, vector<256x4096xf32>
    %reduce_min3A_123 = arith.constant dense<0x7F800000> : vector<256xf32>
    %reduce_min3A_124 = vector.multi_reduction <minimumf>, %select_n3A_122, %reduce_min3A_123 [1] : vector<256x4096xf32> to vector<256xf32>
    %broadcast_in_dim3A_125 = vector.shape_cast %reduce_min3A_124 : vector<256xf32> to vector<256x1xf32>
    %eq3A_126 = vector.broadcast %broadcast_in_dim3A_125 : vector<256x1xf32> to vector<256x4096xf32>
    %eq3A_127 = arith.cmpf oeq, %select_n3A_122, %eq3A_126 : vector<256x4096xf32>
    %jit3A_128 = arith.constant 4.096000e+03 : f32
    %broadcast_in_dim3A_129 = vector.broadcast %jit3A_128 : f32 to vector<256x4096xf32>
    %select_n3A_130 = arith.select %eq3A_127, %broadcast_in_dim3A_129, %select_n3A_122 : vector<256x4096xi1>, vector<256x4096xf32>
    %reduce_min3A_131 = arith.constant dense<0x7F800000> : vector<256xf32>
    %reduce_min3A_132 = vector.multi_reduction <minimumf>, %select_n3A_130, %reduce_min3A_131 [1] : vector<256x4096xf32> to vector<256xf32>
    %broadcast_in_dim3A_133 = vector.shape_cast %reduce_min3A_132 : vector<256xf32> to vector<256x1xf32>
    %eq3A_134 = vector.broadcast %broadcast_in_dim3A_133 : vector<256x1xf32> to vector<256x4096xf32>
    %eq3A_135 = arith.cmpf oeq, %select_n3A_130, %eq3A_134 : vector<256x4096xf32>
    %jit3A_136 = arith.constant 4.096000e+03 : f32
    %broadcast_in_dim3A_137 = vector.broadcast %jit3A_136 : f32 to vector<256x4096xf32>
    %select_n3A_138 = arith.select %eq3A_135, %broadcast_in_dim3A_137, %select_n3A_130 : vector<256x4096xi1>, vector<256x4096xf32>
    %reduce_min3A_139 = arith.constant dense<0x7F800000> : vector<256xf32>
    %reduce_min3A_140 = vector.multi_reduction <minimumf>, %select_n3A_138, %reduce_min3A_139 [1] : vector<256x4096xf32> to vector<256xf32>
    %broadcast_in_dim3A_141 = vector.shape_cast %reduce_min3A_140 : vector<256xf32> to vector<256x1xf32>
    %eq3A_142 = vector.broadcast %broadcast_in_dim3A_141 : vector<256x1xf32> to vector<256x4096xf32>
    %eq3A_143 = arith.cmpf oeq, %select_n3A_138, %eq3A_142 : vector<256x4096xf32>
    %jit3A_144 = arith.constant 4.096000e+03 : f32
    %broadcast_in_dim3A_145 = vector.broadcast %jit3A_144 : f32 to vector<256x4096xf32>
    %select_n3A_146 = arith.select %eq3A_143, %broadcast_in_dim3A_145, %select_n3A_138 : vector<256x4096xi1>, vector<256x4096xf32>
    %reduce_min3A_147 = arith.constant dense<0x7F800000> : vector<256xf32>
    %reduce_min3A_148 = vector.multi_reduction <minimumf>, %select_n3A_146, %reduce_min3A_147 [1] : vector<256x4096xf32> to vector<256xf32>
    %broadcast_in_dim3A_149 = vector.shape_cast %reduce_min3A_148 : vector<256xf32> to vector<256x1xf32>
    %eq3A_150 = vector.broadcast %broadcast_in_dim3A_149 : vector<256x1xf32> to vector<256x4096xf32>
    %eq3A_151 = arith.cmpf oeq, %select_n3A_146, %eq3A_150 : vector<256x4096xf32>
    %jit3A_152 = arith.constant 4.096000e+03 : f32
    %broadcast_in_dim3A_153 = vector.broadcast %jit3A_152 : f32 to vector<256x4096xf32>
    %select_n3A_154 = arith.select %eq3A_151, %broadcast_in_dim3A_153, %select_n3A_146 : vector<256x4096xi1>, vector<256x4096xf32>
    %reduce_min3A_155 = arith.constant dense<0x7F800000> : vector<256xf32>
    %reduce_min3A_156 = vector.multi_reduction <minimumf>, %select_n3A_154, %reduce_min3A_155 [1] : vector<256x4096xf32> to vector<256xf32>
    %broadcast_in_dim3A_157 = vector.shape_cast %reduce_min3A_156 : vector<256xf32> to vector<256x1xf32>
    %eq3A_158 = vector.broadcast %broadcast_in_dim3A_157 : vector<256x1xf32> to vector<256x4096xf32>
    %eq3A_159 = arith.cmpf oeq, %select_n3A_154, %eq3A_158 : vector<256x4096xf32>
    %jit3A_160 = arith.constant 4.096000e+03 : f32
    %broadcast_in_dim3A_161 = vector.broadcast %jit3A_160 : f32 to vector<256x4096xf32>
    %select_n3A_162 = arith.select %eq3A_159, %broadcast_in_dim3A_161, %select_n3A_154 : vector<256x4096xi1>, vector<256x4096xf32>
    %reduce_min3A_163 = arith.constant dense<0x7F800000> : vector<256xf32>
    %reduce_min3A_164 = vector.multi_reduction <minimumf>, %select_n3A_162, %reduce_min3A_163 [1] : vector<256x4096xf32> to vector<256xf32>
    %broadcast_in_dim3A_165 = vector.shape_cast %reduce_min3A_164 : vector<256xf32> to vector<256x1xf32>
    %eq3A_166 = vector.broadcast %broadcast_in_dim3A_165 : vector<256x1xf32> to vector<256x4096xf32>
    %eq3A_167 = arith.cmpf oeq, %select_n3A_162, %eq3A_166 : vector<256x4096xf32>
    %jit3A_168 = arith.constant 4.096000e+03 : f32
    %broadcast_in_dim3A_169 = vector.broadcast %jit3A_168 : f32 to vector<256x4096xf32>
    %select_n3A_170 = arith.select %eq3A_167, %broadcast_in_dim3A_169, %select_n3A_162 : vector<256x4096xi1>, vector<256x4096xf32>
    %reduce_min3A_171 = arith.constant dense<0x7F800000> : vector<256xf32>
    %reduce_min3A_172 = vector.multi_reduction <minimumf>, %select_n3A_170, %reduce_min3A_171 [1] : vector<256x4096xf32> to vector<256xf32>
    %broadcast_in_dim3A_173 = vector.shape_cast %reduce_min3A_172 : vector<256xf32> to vector<256x1xf32>
    %eq3A_174 = vector.broadcast %broadcast_in_dim3A_173 : vector<256x1xf32> to vector<256x4096xf32>
    %eq3A_175 = arith.cmpf oeq, %select_n3A_170, %eq3A_174 : vector<256x4096xf32>
    %jit3A_176 = arith.constant 4.096000e+03 : f32
    %broadcast_in_dim3A_177 = vector.broadcast %jit3A_176 : f32 to vector<256x4096xf32>
    %select_n3A_178 = arith.select %eq3A_175, %broadcast_in_dim3A_177, %select_n3A_170 : vector<256x4096xi1>, vector<256x4096xf32>
    %reduce_min3A_179 = arith.constant dense<0x7F800000> : vector<256xf32>
    %reduce_min3A_180 = vector.multi_reduction <minimumf>, %select_n3A_178, %reduce_min3A_179 [1] : vector<256x4096xf32> to vector<256xf32>
    %broadcast_in_dim3A_181 = vector.shape_cast %reduce_min3A_180 : vector<256xf32> to vector<256x1xf32>
    %eq3A_182 = vector.broadcast %broadcast_in_dim3A_181 : vector<256x1xf32> to vector<256x4096xf32>
    %eq3A_183 = arith.cmpf oeq, %select_n3A_178, %eq3A_182 : vector<256x4096xf32>
    %jit3A_184 = arith.constant 4.096000e+03 : f32
    %broadcast_in_dim3A_185 = vector.broadcast %jit3A_184 : f32 to vector<256x4096xf32>
    %select_n3A_186 = arith.select %eq3A_183, %broadcast_in_dim3A_185, %select_n3A_178 : vector<256x4096xi1>, vector<256x4096xf32>
    %reduce_min3A_187 = arith.constant dense<0x7F800000> : vector<256xf32>
    %reduce_min3A_188 = vector.multi_reduction <minimumf>, %select_n3A_186, %reduce_min3A_187 [1] : vector<256x4096xf32> to vector<256xf32>
    %broadcast_in_dim3A_189 = vector.shape_cast %reduce_min3A_188 : vector<256xf32> to vector<256x1xf32>
    %eq3A_190 = vector.broadcast %broadcast_in_dim3A_189 : vector<256x1xf32> to vector<256x4096xf32>
    %eq3A_191 = arith.cmpf oeq, %select_n3A_186, %eq3A_190 : vector<256x4096xf32>
    %jit3A_192 = arith.constant 4.096000e+03 : f32
    %broadcast_in_dim3A_193 = vector.broadcast %jit3A_192 : f32 to vector<256x4096xf32>
    %select_n3A_194 = arith.select %eq3A_191, %broadcast_in_dim3A_193, %select_n3A_186 : vector<256x4096xi1>, vector<256x4096xf32>
    %reduce_min3A_195 = arith.constant dense<0x7F800000> : vector<256xf32>
    %reduce_min3A_196 = vector.multi_reduction <minimumf>, %select_n3A_194, %reduce_min3A_195 [1] : vector<256x4096xf32> to vector<256xf32>
    %broadcast_in_dim3A_197 = vector.shape_cast %reduce_min3A_196 : vector<256xf32> to vector<256x1xf32>
    %eq3A_198 = vector.broadcast %broadcast_in_dim3A_197 : vector<256x1xf32> to vector<256x4096xf32>
    %eq3A_199 = arith.cmpf oeq, %select_n3A_194, %eq3A_198 : vector<256x4096xf32>
    %jit3A_200 = arith.constant 4.096000e+03 : f32
    %broadcast_in_dim3A_201 = vector.broadcast %jit3A_200 : f32 to vector<256x4096xf32>
    %select_n3A_202 = arith.select %eq3A_199, %broadcast_in_dim3A_201, %select_n3A_194 : vector<256x4096xi1>, vector<256x4096xf32>
    %reduce_min3A_203 = arith.constant dense<0x7F800000> : vector<256xf32>
    %reduce_min3A_204 = vector.multi_reduction <minimumf>, %select_n3A_202, %reduce_min3A_203 [1] : vector<256x4096xf32> to vector<256xf32>
    %broadcast_in_dim3A_205 = vector.shape_cast %reduce_min3A_204 : vector<256xf32> to vector<256x1xf32>
    %eq3A_206 = vector.broadcast %broadcast_in_dim3A_205 : vector<256x1xf32> to vector<256x4096xf32>
    %eq3A_207 = arith.cmpf oeq, %select_n3A_202, %eq3A_206 : vector<256x4096xf32>
    %jit3A_208 = arith.constant 4.096000e+03 : f32
    %broadcast_in_dim3A_209 = vector.broadcast %jit3A_208 : f32 to vector<256x4096xf32>
    %select_n3A_210 = arith.select %eq3A_207, %broadcast_in_dim3A_209, %select_n3A_202 : vector<256x4096xi1>, vector<256x4096xf32>
    %reduce_min3A_211 = arith.constant dense<0x7F800000> : vector<256xf32>
    %reduce_min3A_212 = vector.multi_reduction <minimumf>, %select_n3A_210, %reduce_min3A_211 [1] : vector<256x4096xf32> to vector<256xf32>
    %broadcast_in_dim3A_213 = vector.shape_cast %reduce_min3A_212 : vector<256xf32> to vector<256x1xf32>
    %eq3A_214 = vector.broadcast %broadcast_in_dim3A_213 : vector<256x1xf32> to vector<256x4096xf32>
    %eq3A_215 = arith.cmpf oeq, %select_n3A_210, %eq3A_214 : vector<256x4096xf32>
    %jit3A_216 = arith.constant 4.096000e+03 : f32
    %broadcast_in_dim3A_217 = vector.broadcast %jit3A_216 : f32 to vector<256x4096xf32>
    %select_n3A_218 = arith.select %eq3A_215, %broadcast_in_dim3A_217, %select_n3A_210 : vector<256x4096xi1>, vector<256x4096xf32>
    %reduce_min3A_219 = arith.constant dense<0x7F800000> : vector<256xf32>
    %reduce_min3A_220 = vector.multi_reduction <minimumf>, %select_n3A_218, %reduce_min3A_219 [1] : vector<256x4096xf32> to vector<256xf32>
    %broadcast_in_dim3A_221 = vector.shape_cast %reduce_min3A_220 : vector<256xf32> to vector<256x1xf32>
    %eq3A_222 = vector.broadcast %broadcast_in_dim3A_221 : vector<256x1xf32> to vector<256x4096xf32>
    %eq3A_223 = arith.cmpf oeq, %select_n3A_218, %eq3A_222 : vector<256x4096xf32>
    %jit3A_224 = arith.constant 4.096000e+03 : f32
    %broadcast_in_dim3A_225 = vector.broadcast %jit3A_224 : f32 to vector<256x4096xf32>
    %select_n3A_226 = arith.select %eq3A_223, %broadcast_in_dim3A_225, %select_n3A_218 : vector<256x4096xi1>, vector<256x4096xf32>
    %reduce_min3A_227 = arith.constant dense<0x7F800000> : vector<256xf32>
    %reduce_min3A_228 = vector.multi_reduction <minimumf>, %select_n3A_226, %reduce_min3A_227 [1] : vector<256x4096xf32> to vector<256xf32>
    %broadcast_in_dim3A_229 = vector.shape_cast %reduce_min3A_228 : vector<256xf32> to vector<256x1xf32>
    %eq3A_230 = vector.broadcast %broadcast_in_dim3A_229 : vector<256x1xf32> to vector<256x4096xf32>
    %eq3A_231 = arith.cmpf oeq, %select_n3A_226, %eq3A_230 : vector<256x4096xf32>
    %jit3A_232 = arith.constant 4.096000e+03 : f32
    %broadcast_in_dim3A_233 = vector.broadcast %jit3A_232 : f32 to vector<256x4096xf32>
    %select_n3A_234 = arith.select %eq3A_231, %broadcast_in_dim3A_233, %select_n3A_226 : vector<256x4096xi1>, vector<256x4096xf32>
    %reduce_min3A_235 = arith.constant dense<0x7F800000> : vector<256xf32>
    %reduce_min3A_236 = vector.multi_reduction <minimumf>, %select_n3A_234, %reduce_min3A_235 [1] : vector<256x4096xf32> to vector<256xf32>
    %broadcast_in_dim3A_237 = vector.shape_cast %reduce_min3A_236 : vector<256xf32> to vector<256x1xf32>
    %eq3A_238 = vector.broadcast %broadcast_in_dim3A_237 : vector<256x1xf32> to vector<256x4096xf32>
    %eq3A_239 = arith.cmpf oeq, %select_n3A_234, %eq3A_238 : vector<256x4096xf32>
    %jit3A_240 = arith.constant 4.096000e+03 : f32
    %broadcast_in_dim3A_241 = vector.broadcast %jit3A_240 : f32 to vector<256x4096xf32>
    %select_n3A_242 = arith.select %eq3A_239, %broadcast_in_dim3A_241, %select_n3A_234 : vector<256x4096xi1>, vector<256x4096xf32>
    %reduce_min3A_243 = arith.constant dense<0x7F800000> : vector<256xf32>
    %reduce_min3A_244 = vector.multi_reduction <minimumf>, %select_n3A_242, %reduce_min3A_243 [1] : vector<256x4096xf32> to vector<256xf32>
    %broadcast_in_dim3A_245 = vector.shape_cast %reduce_min3A_244 : vector<256xf32> to vector<256x1xf32>
    %eq3A_246 = vector.broadcast %broadcast_in_dim3A_245 : vector<256x1xf32> to vector<256x4096xf32>
    %eq3A_247 = arith.cmpf oeq, %select_n3A_242, %eq3A_246 : vector<256x4096xf32>
    %jit3A_248 = arith.constant 4.096000e+03 : f32
    %broadcast_in_dim3A_249 = vector.broadcast %jit3A_248 : f32 to vector<256x4096xf32>
    %select_n3A_250 = arith.select %eq3A_247, %broadcast_in_dim3A_249, %select_n3A_242 : vector<256x4096xi1>, vector<256x4096xf32>
    %reduce_min3A_251 = arith.constant dense<0x7F800000> : vector<256xf32>
    %reduce_min3A_252 = vector.multi_reduction <minimumf>, %select_n3A_250, %reduce_min3A_251 [1] : vector<256x4096xf32> to vector<256xf32>
    %broadcast_in_dim3A_253 = vector.shape_cast %reduce_min3A_252 : vector<256xf32> to vector<256x1xf32>
    %eq3A_254 = vector.broadcast %broadcast_in_dim3A_253 : vector<256x1xf32> to vector<256x4096xf32>
    %eq3A_255 = arith.cmpf oeq, %select_n3A_250, %eq3A_254 : vector<256x4096xf32>
    %jit3A_256 = arith.constant 4.096000e+03 : f32
    %broadcast_in_dim3A_257 = vector.broadcast %jit3A_256 : f32 to vector<256x4096xf32>
    %select_n3A_258 = arith.select %eq3A_255, %broadcast_in_dim3A_257, %select_n3A_250 : vector<256x4096xi1>, vector<256x4096xf32>
    %reduce_min3A_259 = arith.constant dense<0x7F800000> : vector<256xf32>
    %reduce_min3A_260 = vector.multi_reduction <minimumf>, %select_n3A_258, %reduce_min3A_259 [1] : vector<256x4096xf32> to vector<256xf32>
    %broadcast_in_dim3A_261 = vector.shape_cast %reduce_min3A_260 : vector<256xf32> to vector<256x1xf32>
    %eq3A_262 = vector.broadcast %broadcast_in_dim3A_261 : vector<256x1xf32> to vector<256x4096xf32>
    %eq3A_263 = arith.cmpf oeq, %select_n3A_258, %eq3A_262 : vector<256x4096xf32>
    %jit3A_264 = arith.constant 4.096000e+03 : f32
    %broadcast_in_dim3A_265 = vector.broadcast %jit3A_264 : f32 to vector<256x4096xf32>
    %select_n3A_266 = arith.select %eq3A_263, %broadcast_in_dim3A_265, %select_n3A_258 : vector<256x4096xi1>, vector<256x4096xf32>
    %reduce_min3A_267 = arith.constant dense<0x7F800000> : vector<256xf32>
    %reduce_min3A_268 = vector.multi_reduction <minimumf>, %select_n3A_266, %reduce_min3A_267 [1] : vector<256x4096xf32> to vector<256xf32>
    %broadcast_in_dim3A_269 = vector.shape_cast %reduce_min3A_268 : vector<256xf32> to vector<256x1xf32>
    %eq3A_270 = vector.broadcast %broadcast_in_dim3A_269 : vector<256x1xf32> to vector<256x4096xf32>
    %eq3A_271 = arith.cmpf oeq, %select_n3A_266, %eq3A_270 : vector<256x4096xf32>
    %jit3A_272 = arith.constant 4.096000e+03 : f32
    %broadcast_in_dim3A_273 = vector.broadcast %jit3A_272 : f32 to vector<256x4096xf32>
    %select_n3A_274 = arith.select %eq3A_271, %broadcast_in_dim3A_273, %select_n3A_266 : vector<256x4096xi1>, vector<256x4096xf32>
    %reduce_min3A_275 = arith.constant dense<0x7F800000> : vector<256xf32>
    %reduce_min3A_276 = vector.multi_reduction <minimumf>, %select_n3A_274, %reduce_min3A_275 [1] : vector<256x4096xf32> to vector<256xf32>
    %broadcast_in_dim3A_277 = vector.shape_cast %reduce_min3A_276 : vector<256xf32> to vector<256x1xf32>
    %eq3A_278 = vector.broadcast %broadcast_in_dim3A_277 : vector<256x1xf32> to vector<256x4096xf32>
    %eq3A_279 = arith.cmpf oeq, %select_n3A_274, %eq3A_278 : vector<256x4096xf32>
    %jit3A_280 = arith.constant 4.096000e+03 : f32
    %broadcast_in_dim3A_281 = vector.broadcast %jit3A_280 : f32 to vector<256x4096xf32>
    %select_n3A_282 = arith.select %eq3A_279, %broadcast_in_dim3A_281, %select_n3A_274 : vector<256x4096xi1>, vector<256x4096xf32>
    %reduce_min3A_283 = arith.constant dense<0x7F800000> : vector<256xf32>
    %reduce_min3A_284 = vector.multi_reduction <minimumf>, %select_n3A_282, %reduce_min3A_283 [1] : vector<256x4096xf32> to vector<256xf32>
    %broadcast_in_dim3A_285 = vector.shape_cast %reduce_min3A_284 : vector<256xf32> to vector<256x1xf32>
    %eq3A_286 = vector.broadcast %broadcast_in_dim3A_285 : vector<256x1xf32> to vector<256x4096xf32>
    %eq3A_287 = arith.cmpf oeq, %select_n3A_282, %eq3A_286 : vector<256x4096xf32>
    %jit3A_288 = arith.constant 4.096000e+03 : f32
    %broadcast_in_dim3A_289 = vector.broadcast %jit3A_288 : f32 to vector<256x4096xf32>
    %select_n3A_290 = arith.select %eq3A_287, %broadcast_in_dim3A_289, %select_n3A_282 : vector<256x4096xi1>, vector<256x4096xf32>
    %reduce_min3A_291 = arith.constant dense<0x7F800000> : vector<256xf32>
    %reduce_min3A_292 = vector.multi_reduction <minimumf>, %select_n3A_290, %reduce_min3A_291 [1] : vector<256x4096xf32> to vector<256xf32>
    %broadcast_in_dim3A_293 = vector.shape_cast %reduce_min3A_292 : vector<256xf32> to vector<256x1xf32>
    %eq3A_294 = vector.broadcast %broadcast_in_dim3A_293 : vector<256x1xf32> to vector<256x4096xf32>
    %eq3A_295 = arith.cmpf oeq, %select_n3A_290, %eq3A_294 : vector<256x4096xf32>
    %jit3A_296 = arith.constant 4.096000e+03 : f32
    %broadcast_in_dim3A_297 = vector.broadcast %jit3A_296 : f32 to vector<256x4096xf32>
    %select_n3A_298 = arith.select %eq3A_295, %broadcast_in_dim3A_297, %select_n3A_290 : vector<256x4096xi1>, vector<256x4096xf32>
    %reduce_min3A_299 = arith.constant dense<0x7F800000> : vector<256xf32>
    %reduce_min3A_300 = vector.multi_reduction <minimumf>, %select_n3A_298, %reduce_min3A_299 [1] : vector<256x4096xf32> to vector<256xf32>
    %broadcast_in_dim3A_301 = vector.shape_cast %reduce_min3A_300 : vector<256xf32> to vector<256x1xf32>
    %concatenate3A = tpu.concatenate %broadcast_in_dim3A_54, %broadcast_in_dim3A_61, %broadcast_in_dim3A_69, %broadcast_in_dim3A_77, %broadcast_in_dim3A_85, %broadcast_in_dim3A_93, %broadcast_in_dim3A_101, %broadcast_in_dim3A_109, %broadcast_in_dim3A_117, %broadcast_in_dim3A_125, %broadcast_in_dim3A_133, %broadcast_in_dim3A_141, %broadcast_in_dim3A_149, %broadcast_in_dim3A_157, %broadcast_in_dim3A_165, %broadcast_in_dim3A_173, %broadcast_in_dim3A_181, %broadcast_in_dim3A_189, %broadcast_in_dim3A_197, %broadcast_in_dim3A_205, %broadcast_in_dim3A_213, %broadcast_in_dim3A_221, %broadcast_in_dim3A_229, %broadcast_in_dim3A_237, %broadcast_in_dim3A_245, %broadcast_in_dim3A_253, %broadcast_in_dim3A_261, %broadcast_in_dim3A_269, %broadcast_in_dim3A_277, %broadcast_in_dim3A_285, %broadcast_in_dim3A_293, %broadcast_in_dim3A_301 in 1 : vector<256x1xf32>, vector<256x1xf32>, vector<256x1xf32>, vector<256x1xf32>, vector<256x1xf32>, vector<256x1xf32>, vector<256x1xf32>, vector<256x1xf32>, vector<256x1xf32>, vector<256x1xf32>, vector<256x1xf32>, vector<256x1xf32>, vector<256x1xf32>, vector<256x1xf32>, vector<256x1xf32>, vector<256x1xf32>, vector<256x1xf32>, vector<256x1xf32>, vector<256x1xf32>, vector<256x1xf32>, vector<256x1xf32>, vector<256x1xf32>, vector<256x1xf32>, vector<256x1xf32>, vector<256x1xf32>, vector<256x1xf32>, vector<256x1xf32>, vector<256x1xf32>, vector<256x1xf32>, vector<256x1xf32>, vector<256x1xf32>, vector<256x1xf32> -> vector<256x32xf32>
    %convert_element_type3A_302 = arith.fptosi %concatenate3A : vector<256x32xf32> to vector<256x32xi32>
    %swap3A = arith.constant 0 : index
    %swap3A_303 = arith.constant 0 : index
    %swap3A_304 = arith.constant 0 : index
    %swap3A_305 = vector.load %arg4[%swap3A, %swap3A_303, %swap3A_304] : memref<1x256x32xi32, #tpu.memory_space<vmem>>, vector<1x256x32xi32>
    %swap3A_306 = vector.shape_cast %swap3A_305 : vector<1x256x32xi32> to vector<256x32xi32>
    %swap3A_307 = vector.shape_cast %convert_element_type3A_302 : vector<256x32xi32> to vector<1x256x32xi32>
    tpu.vector_store %arg4[%swap3A, %swap3A_303, %swap3A_304], %swap3A_307 {strides = array<i32>} : memref<1x256x32xi32, #tpu.memory_space<vmem>>, vector<1x256x32xi32>,
    return
  }
  func.func @transform_0(%arg0: i32, %arg1: i32) -> (i32, i32, i32) {
    %c0_i32 = arith.constant 0 : i32
    %c0_i32_0 = arith.constant 0 : i32
    return %arg0, %arg1, %c0_i32 : i32, i32, i32
  }
  func.func @transform_1(%arg0: i32, %arg1: i32) -> (i32, i32, i32) {
    %c0_i32 = arith.constant 0 : i32
    %c0_i32_0 = arith.constant 0 : i32
    %c0_i32_1 = arith.constant 0 : i32
    return %arg0, %c0_i32, %c0_i32_0 : i32, i32, i32
  }
  func.func @transform_2(%arg0: i32, %arg1: i32) -> (i32, i32, i32) {
    %c0_i32 = arith.constant 0 : i32
    %c0_i32_0 = arith.constant 0 : i32
    return %arg0, %arg1, %c0_i32 : i32, i32, i32
  }
}

module attributes {stable_mosaic.version = 14 : i64} {
  func.func @_final_kernel(%arg0: i32, %arg1: memref<512x128xf32, #tpu.memory_space<vmem>>, %arg2: memref<128x128xf32, #tpu.memory_space<vmem>>, %arg3: memref<128xf32, #tpu.memory_space<vmem>>, %arg4: memref<512x128xf32, #tpu.memory_space<vmem>>) attributes {dimension_semantics = [#tpu.dimension_semantics<arbitrary>], iteration_bounds = array<i64: 16>, scalar_prefetch = 0 : i64, scratch_operands = 0 : i64, tpu.core_type = #tpu.core_type<tc>, window_params = [{transform_indices = @transform_0, window_bounds = array<i64: 512, 128>}, {pipeline_mode = #tpu.pipeline_mode<synchronous>, transform_indices = @transform_1, window_bounds = array<i64: 128, 128>}, {pipeline_mode = #tpu.pipeline_mode<synchronous>, transform_indices = @transform_2, window_bounds = array<i64: 128>}, {transform_indices = @transform_3, window_bounds = array<i64: 512, 128>}]} {
    %get3A = arith.constant 0 : index
    %get3A_0 = arith.constant 0 : index
    %get3A_1 = vector.load %arg1[%get3A, %get3A_0] : memref<512x128xf32, #tpu.memory_space<vmem>>, vector<512x128xf32>
    %get3A_2 = arith.constant 0 : index
    %get3A_3 = arith.constant 0 : index
    %get3A_4 = vector.load %arg2[%get3A_2, %get3A_3] : memref<128x128xf32, #tpu.memory_space<vmem>>, vector<128x128xf32>
    %dot_general3A = arith.constant dense<0.000000e+00> : vector<512x128xf32>
    %dot_general3A_5 = tpu.matmul %get3A_1, %get3A_4, %dot_general3A {dimension_numbers = #tpu.dot_dimension_numbers<[1], [0], [0], [1], [0, 0, 1, 1], [], []>, transpose_lhs_hint = false} : vector<512x128xf32>, vector<128x128xf32>, vector<512x128xf32> -> vector<512x128xf32>
    %get3A_6 = arith.constant 0 : index
    %get3A_7 = vector.load %arg3[%get3A_6] : memref<128xf32, #tpu.memory_space<vmem>>, vector<128xf32>
    %broadcast_in_dim3A = vector.shape_cast %get3A_7 : vector<128xf32> to vector<1x128xf32>
    %add3A = vector.broadcast %broadcast_in_dim3A : vector<1x128xf32> to vector<512x128xf32>
    %add3A_8 = arith.addf %dot_general3A_5, %add3A : vector<512x128xf32>
    %ge3A = arith.constant 0.000000e+00 : f32
    %ge3A_9 = vector.broadcast %ge3A : f32 to vector<512x128xf32>
    %ge3A_10 = arith.cmpf oge, %add3A_8, %ge3A_9 : vector<512x128xf32>
    %mul3A = arith.constant 1.000000e-01 : f32
    %mul3A_11 = vector.broadcast %mul3A : f32 to vector<512x128xf32>
    %mul3A_12 = arith.mulf %mul3A_11, %add3A_8 : vector<512x128xf32>
    %select_n3A = arith.select %ge3A_10, %add3A_8, %mul3A_12 : vector<512x128xi1>, vector<512x128xf32>
    %swap3A = arith.constant 0 : index
    %swap3A_13 = arith.constant 0 : index
    %swap3A_14 = vector.load %arg4[%swap3A, %swap3A_13] : memref<512x128xf32, #tpu.memory_space<vmem>>, vector<512x128xf32>
    tpu.vector_store %arg4[%swap3A, %swap3A_13], %select_n3A {strides = array<i32>} : memref<512x128xf32, #tpu.memory_space<vmem>>, vector<512x128xf32>,
    return
  }
  func.func @transform_0(%arg0: i32) -> (i32, i32) {
    %c0_i32 = arith.constant 0 : i32
    %c0_i32_0 = arith.constant 0 : i32
    return %arg0, %c0_i32 : i32, i32
  }
  func.func @transform_1(%arg0: i32) -> (i32, i32) {
    %c0_i32 = arith.constant 0 : i32
    %c0_i32_0 = arith.constant 0 : i32
    %c0_i32_1 = arith.constant 0 : i32
    return %c0_i32, %c0_i32_0 : i32, i32
  }
  func.func @transform_2(%arg0: i32) -> i32 {
    %c0_i32 = arith.constant 0 : i32
    %c0_i32_0 = arith.constant 0 : i32
    return %c0_i32 : i32
  }
  func.func @transform_3(%arg0: i32) -> (i32, i32) {
    %c0_i32 = arith.constant 0 : i32
    %c0_i32_0 = arith.constant 0 : i32
    return %arg0, %c0_i32 : i32, i32
  }
}

</mosaic_0001>

<sc_bundles>
// kernel: kernel.5.cloned.1.call-start
scs
__scs_entry_jumppad:
0x0: {  	(pc) =	sbr.rel $0x88, $3  }
0x1: {  	(tag) =	ssettag $0x0;
	lr =	simm.s32 $0x1  }
0x2: {  	[smem:$0x3F91] =	sst lr;
	_ =	strace $0xD0000000  }
0x3: {  	_ = 	snop  }
0x4: {  	_ = 	snop  }
0x5: {  	_ = 	snop  }
0x6: {  	_ = 	snop  }
0x7: {  	_ = 	snop  }
__scs_overlays_trampoline_lowered:
0x8: {  	[smem:$0x3FA0] =	sst s0  }
0x9: {  	[smem:$0x3FA1] =	sst s1  }
0xa: {  	[smem:$0x3FA2] =	sst s2  }
0xb: {  	[smem:$0x3FA3] =	sst s3  }
0xc: {  	[smem:$0x3FA4] =	sst s4  }
0xd: {  	[smem:$0x3FA5] =	sst s5  }
0xe: {  	[smem:$0x3FA6] =	sst s6  }
0xf: {  	[smem:$0x3FA7] =	sst s7  }
0x10: {  	[smem:$0x3FA8] =	sst s8  }
0x11: {  	[smem:$0x3FA9] =	sst s9;
	s0 =	simm.s32 @!p0 $0x0  }
0x12: {  	s1 =	sld [smem:$0x3F8F];
	s0 =	simm.s32 @p0 $0x1  }
0x13: {  	[smem:$0x3FAA] =	sst s0;
	s0 =	simm.s32 @!p1 $0x0  }
0x14: {  	s2 =	sld [smem:$0x3F8E];
	s0 =	simm.s32 @p1 $0x1  }
0x15: {  	[smem:$0x3FAB] =	sst s0;
	s0 =	simm.s32 @!p2 $0x0  }
0x16: {  	s3 =	sld [smem:$0x3FDB];
	s0 =	simm.s32 @p2 $0x1  }
0x17: {  	s4 =	simm.s32 $0x1BF5;
	[smem:$0x3FAD] =	sst s0  }
0x18: {  	s0 =	sld [smem:$0x3F90];
	_ =	swait.ge [sflag:s4], $0x0  }
0x19: {  	s7 =	sld [smem:$0x3F91]  }
0x1a: {  	s8 =	sadd.s32 $0xFFFFE003, lr  }
0x1b: {  	s9 =	sadd.s32 $0xFFFFFEF7, lr;
	s5 =	simm.s32 $0xFFFFFFFF;
	p2 =	slt.u32 s8, $0xFFFFF086  }
0x1c: {  	p1 =	slt.u32 s9, $0xF7A;
	s5 =	simm.s32 @!p2 $0x0  }
0x1d: {  	s5 =	simm.s32 @p1 $0x1;
	p0 =	seq.s32 s7, s2  }
0x1e: {  	s7 =	smul.u32 @!p0 $0xF7A, s2;
	p2 =	seq.s32 @!p0 s5, $0x0  }
0x1f: {  	s9 =	smul.u32 $0xF7A, s1;
	s8 =	simm.s32 @!p0 $0x1BF5;
	p2 =	por !p2, p0  }
0x20: {  	[sflag:s8] =	ssyncset.s32 @!p0 $0xFFFFF086;
	s6 =	sadd.s32 @!p0 s3, s7;
	s7 =	simm.s32 @!p0 $0x108  }
0x21: {  	s3 =	sadd.s32 s3, s9;
	s6 =	sadd.s32 @!p0 $0x88, s6;
	s7 =	simm.s32 @p2 $0x1082  }
0x22: {  	[simem:s7], [sflag:s8] =	dma.local @!p0 [hbm:s6], $0xF7A  }
0x23: {  	s9 =	sor.u32 $0xD0000000, s2;
	s6 =	simm.s32 $0x108;
	_ =	swait.ge @!p0 [sflag:s8], $0x0  }
0x24: {  	s3 =	sadd.s32 $0x88, s3;
	s6 =	simm.s32 @!p1 $0x1082;
	[sflag:s4] =	ssyncset.s32 $0xFFFFF086  }
0x25: {  	[simem:s6], [sflag:s4] =	dma.local [hbm:s3], $0xF7A  }
0x26: {  	[smem:$0x3F91] =	sst s1;
	(tag) =	ssettag s2;
	_ =	strace s9  }
0x27: {  	s1 =	sld [smem:$0x3FA1]  }
0x28: {  	s2 =	sld [smem:$0x3FA2]  }
0x29: {  	s4 =	sld [smem:$0x3FA4]  }
0x2a: {  	p0 =	seq.s32 s5, $0x0;
	s5 =	sld [smem:$0x3FA5]  }
0x2b: {  	s6 =	sld [smem:$0x3FA6]  }
0x2c: {  	s7 =	sld [smem:$0x3FA7]  }
0x2d: {  	s3 =	simm.s32 $0x108;
	s8 =	sld [smem:$0x3FA8]  }
0x2e: {  	s3 =	simm.s32 @!p0 $0x1082;
	s9 =	sld [smem:$0x3FA9]  }
0x2f: {  	lr =	sadd.s32 s0, s3;
	s0 =	sld [smem:$0x3FA0]  }
0x30: {  	s3 =	sld [smem:$0x3FA3]  }
0x31: {  	[smem:$0x3FAC] =	sst s10  }
0x32: {  	s10 =	sld [smem:$0x3FAA];
	_ =	sdelay $0x3  }
0x33: {  	p0 =	seq.s32 s10, $0x1;
	s10 =	sld [smem:$0x3FAC];
	_ =	sdelay $0x3  }
0x34: {  	[smem:$0x3FAC] =	sst s10  }
0x35: {  	s10 =	sld [smem:$0x3FAB];
	_ =	sdelay $0x3  }
0x36: {  	p1 =	seq.s32 s10, $0x1;
	s10 =	sld [smem:$0x3FAC];
	_ =	sdelay $0x3  }
0x37: {  	[smem:$0x3FAC] =	sst s10  }
0x38: {  	s10 =	sld [smem:$0x3FAD]  }
0x39: {  	_ = 	snop;
	(pc) =	sbr.ind lr, $3  }
0x3a: {  	_ = 	snop  }
0x3b: {  	_ = 	snop  }
0x3c: {  	p2 =	seq.s32 s10, $0x1;
	s10 =	sld [smem:$0x3FAC]  }
0x3d: {  	_ =	shalt  }
0x3e: {  	_ =	shalt  }
0x3f: {  	_ =	shalt  }
0x40: {  	_ =	shalt  }
0x41: {  	_ =	shalt  }
0x42: {  	_ =	shalt  }
0x43: {  	_ =	shalt  }
0x44: {  	_ =	shalt  }
0x45: {  	_ =	shalt  }
0x46: {  	_ =	shalt  }
0x47: {  	_ =	shalt  }
0x48: {  	_ =	shalt  }
0x49: {  	_ =	shalt  }
0x4a: {  	_ =	shalt  }
0x4b: {  	_ =	shalt  }
0x4c: {  	_ =	shalt  }
0x4d: {  	_ =	shalt  }
0x4e: {  	_ =	shalt  }
0x4f: {  	_ =	shalt  }
0x50: {  	_ =	shalt  }
0x51: {  	_ =	shalt  }
0x52: {  	_ =	shalt  }
0x53: {  	_ =	shalt  }
0x54: {  	_ =	shalt  }
0x55: {  	_ =	shalt  }
0x56: {  	_ =	shalt  }
0x57: {  	_ =	shalt  }
0x58: {  	_ =	shalt  }
0x59: {  	_ =	shalt  }
0x5a: {  	_ =	shalt  }
0x5b: {  	_ =	shalt  }
0x5c: {  	_ =	shalt  }
0x5d: {  	_ =	shalt  }
0x5e: {  	_ =	shalt  }
0x5f: {  	_ =	shalt  }
0x60: {  	_ =	shalt  }
0x61: {  	_ =	shalt  }
0x62: {  	_ =	shalt  }
0x63: {  	_ =	shalt  }
0x64: {  	_ =	shalt  }
0x65: {  	_ =	shalt  }
0x66: {  	_ =	shalt  }
0x67: {  	_ =	shalt  }
0x68: {  	_ =	shalt  }
0x69: {  	_ =	shalt  }
0x6a: {  	_ =	shalt  }
0x6b: {  	_ =	shalt  }
0x6c: {  	_ =	shalt  }
0x6d: {  	_ =	shalt  }
0x6e: {  	_ =	shalt  }
0x6f: {  	_ =	shalt  }
0x70: {  	_ =	shalt  }
0x71: {  	_ =	shalt  }
0x72: {  	_ =	shalt  }
0x73: {  	_ =	shalt  }
0x74: {  	_ =	shalt  }
0x75: {  	_ =	shalt  }
0x76: {  	_ =	shalt  }
0x77: {  	_ =	shalt  }
0x78: {  	_ =	shalt  }
0x79: {  	_ =	shalt  }
0x7a: {  	_ =	shalt  }
0x7b: {  	_ =	shalt  }
0x7c: {  	_ =	shalt  }
0x7d: {  	_ =	shalt  }
0x7e: {  	_ =	shalt  }
0x7f: {  	_ =	shalt  }
0x80: {  	_ =	shalt  }
0x81: {  	_ =	shalt  }
0x82: {  	_ =	shalt  }
0x83: {  	_ =	shalt  }
0x84: {  	_ =	shalt  }
0x85: {  	_ =	shalt  }
0x86: {  	_ =	shalt  }
0x87: {  	_ =	shalt  }
.Lfunc_end0:
.L_simem_size_0:
called_computation_lowered:
.L_overlay_start_0:
0x88: {  	s2 =	sld [smem:$0x3FD9]  }
0x89: {  	s3 =	sld [smem:$0x3FFE];
	_ =	sdelay $0x1  }
0x8a: {  	s1 =	srdreg.scid  }
0x8b: {  	s0 =	sand.u32 $0x1, s1  }
0x8c: {  	s17 =	sshll.u32 s0, $0xA;
	s2 =	sadd.s32 s3, s2  }
0x8d: {  	s2 =	sadd.s32 s2, s17  }
0x8e: {  	[smem:$0x3FB8] =	sst s2  }
0x8f: {  	_ = 	snop  }
0x90: {  	s2 =	sld [smem:$0x3FD0];
	(tm) =	ssettm $0x1  }
0x91: {  	s18 =	sld [smem:$0x3FFB];
	_ =	sdelay $0x3  }
0x92: {  	_ =	strace s18  }
0x93: {  	s3 =	sld [smem:$0x3FFC];
	_ =	sdelay $0x3  }
0x94: {  	_ =	strace s3  }
0x95: {  	s3 =	sld [smem:$0x3FFD];
	_ =	sdelay $0x3  }
0x96: {  	_ =	strace s3  }
0x97: {  	_ =	strace $0x8FFFFFFF  }
0x98: {  	s19 =	sld [smem:$0x3FDB];
	_ =	sdelay $0x1  }
0x99: {  	s4 =	simm.s32 $_scs_section_size  }
0x9a: {  	s5 =	simm.s32 $_size__tile_overlayer_lowered;
	s6 =	simm.s32 $_tile_overlayer_lowered  }
0x9b: {  	s22 =	simm.s32 $0x1BFF;
	s21 =	sshll.u32 s6, $0x1;
	s3 =	sadd.s32 s4, s19  }
0x9c: {  	s7 =	simm.s32 $0x0;
	s20 =	sshll.u32 s5, $0x1;
	s5 =	sadd.s32 s21, s3  }
0x9d: {  	[timem:s7], [sflag:s22] =	dma.local [hbm:s5], s20  }
0x9e: {  	_ =	swait.ge [sflag:s22], s20  }
0x9f: {  	s4 =	ssub.s32 $0x0, s20;
	[sflag:s22] =	ssyncset.done $0x0  }
0xa0: {  	[sflag:s22] =	ssyncadd.s32 s4;
	_ =	sdelay $0x1  }
0xa1: {  	s23 =	simm.s32 $0x1B8B  }
0xa2: {  	_ =	swait.ge [sflag:s23], $0x1  }
0xa3: {  	[sflag:s23] =	ssyncset.done $0x0  }
0xa4: {  	s25 =	simm.s32 $0x1B8E;
	s24 =	sld [smem:$0x3FFE];
	[sflag:s23] =	ssyncadd.s32 $0xFFFFFFFF  }
0xa5: {  	s26 =	simm.s32 $execute0_lowered;
	[smem:$0x3FD2] =	sst s25  }
0xa6: {  	s5 =	sshll.u32 s26, $0x1;
	_ =	strace $0x80000046;
	[dreg:$0x1] =	wrdreg $0xFFFFFFFF  }
0xa7: {  	s28 =	simm.s32 $_size_execute0_lowered;
	s3 =	sadd.s32 s3, s5;
	[dreg:$0x0] =	wrdreg $0x0  }
0xa8: {  	s5 =	sshll.u32 s28, $0x1;
	[dreg:$0x2] =	wrdreg s3  }
0xa9: {  	[dreg:$0x3] =	wrdreg s5  }
0xaa: {  	[dreg:$0x4] =	wrdreg $0xC0  }
0xab: {  	_ =	task [dreg:s7], $0x5FFFF  }
0xac: {  	[dreg:$0x1] =	wrdreg $0xFFFFFFFF  }
0xad: {  	[dreg:$0x0] =	wrdreg $0x60  }
0xae: {  	[dreg:$0x2] =	wrdreg s24  }
0xaf: {  	[dreg:$0x3] =	wrdreg s2  }
0xb0: {  	[dreg:$0x4] =	wrdreg $0x9  }
0xb1: {  	_ =	task.clear_ibuf [dreg:s7], $0x5FFFF;
	_ =	strace $0x90000046  }
0xb2: {  	s29 =	simm.s32 $0x9;
	_ =	strace $0x80000048  }
0xb3: {  	_ =	swait.ge [sflag:s29], $0x1  }
0xb4: {  	[sflag:s29] =	ssyncadd.s32 $0xFFFFFFFF  }
0xb5: {  	_ =	strace $0x90000048  }
0xb6: {  	_ =	sfence  }
0xb7: {  	s30 =	sld [smem:$0x0];
	_ =	sdelay $0x2  }
0xb8: {  	s31 =	sshll.u32 s1, $0xD;
	s1 =	sshrl.u32 s1, $0x2  }
0xb9: {  	s3 =	sand.u32 $0x4000, s31;
	s1 =	sadd.s32 s1, s30  }
0xba: {  	s0 =	sor.u32 s3, s0;
	s1 =	sshll.u32 s1, $0x11  }
0xbb: {  	s0 =	sor.u32 s1, s0  }
0xbc: {  	s0 =	sadd.s32 $0x8F2B, s0  }
0xbd: {  	[sflag:s0] =	ssyncadd.remote.s32 $0x1  }
0xbe: {  	_ =	sfence.sel $0xFFFF  }
0xbf: {  	[dreg:$0x0] =	wrdreg $0xFFFFFFFF;
	(pc) =	sbr.abs _section_cstart, $3  }
0xc0: {  	[dreg:$0x1] =	wrdreg $0xFFFFFFFF  }
0xc1: {  	_ =	task.clear_ibuf [dreg:s7], $0x2FFFF;
	_ =	strace $0x9FFFFFFF  }
0xc2: {  	(tm) =	ssettm $0x7FFFFFFF  }
0xc3: {  	_ =	shalt  }
tec
execute0_lowered:
.L_overlay_start_1:
0x0: {  	(tag) =	ssettag $0x1  }
0x1: {  	s6 =	rddreg [dreg:$0x0]  }
0x2: {  	s7 =	rddreg [dreg:$0x1];
	s1 =	simm.s32 $0x0  }
0x3: {  	s8 =	srdreg.scid;
	s0 =	stileid.u32;
	s20 =	simm.s32 $0x6000  }
0x4: {  	s21 =	simm.s32 $0xA000;
	s22 =	simm.s32 $0xE000;
	s23 =	simm.s32 $0x1  }
0x5: {  	s24 =	simm.s32 $0x2;
	s28 =	simm.s32 $0x0;
	[smem:$0x7FF] =	sst s1  }
0x6: {  	s3 =	sadd.s32 $0x22000, s6;
	s4 =	sadd.s32 $0x42200, s6;
	s5 =	sadd.s32 $0x1E00, s6  }
0x7: {  	s14 =	sand.u32 $0x1, s8;
	s15 =	sadd.s32 $0x462400, s6;
	s25 =	sshll.u32 s0, $0x7  }
0x8: {  	s16 =	sadd.s32 $0x862400, s6;
	s17 =	sadd.s32 $0x62400, s6;
	s18 =	sshll.u32 s0, $0x12  }
0x9: {  	_ =	strace $0x80000047;
	s9 =	sshll.u32 s14, $0x6;
	s10 =	ssub.s32 $0x2, s14  }
0xa: {  	s19 =	sshll.u32 s14, $0x11;
	s30 =	sadd.s32 s18, s16;
	s8 =	sor.u32 s9, s25  }
0xb: {  	s26 =	sshrl.u32 s10, $0x1;
	s25 =	simm.s32 $0x1F00;
	s9 =	sshll.u32 s8, $0xB  }
0xc: {  	s10 =	ssub.s32 s10, s26;
	s29 =	sshll.u32 s8, $0x4;
	s26 =	simm.s32 $0x1F80  }
0xd: {  	s11 =	sor.u32 $0x1E000, s9;
	s2 =	sadd.s32 s7, s29;
	s7 =	smax.u32 s10, $0x1  }
0xe: {  	[dreg:$0x3] =	wrdreg s2;
	s8 =	sadd.s32 s15, s11;
	s10 =	sadd.s32 s16, s11  }
0xf: {  	s11 =	sadd.s32 s17, s11;
	s15 =	sadd.s32 s18, s15;
	s16 =	sadd.s32 s19, s30  }
0x10: {  	s17 =	sadd.s32 s18, s17;
	s18 =	simm.s32 $0x80;
	s9 =	sadd.s32 $0x1000, s8  }
0x11: {  	s12 =	sadd.s32 $0x1000, s10;
	s13 =	sadd.s32 $0x1000, s11;
	s15 =	sadd.s32 s19, s15  }
0x12: {  	s31 =	sadd.s32 s19, s17;
	s17 =	simm.s32 $0x3;
	s19 =	simm.s32 $0x2000  }
0x13: {  	s14 =	sadd.s32 $0x1000, s15;
	s15 =	sadd.s32 $0x1000, s16;
	s16 =	sadd.s32 $0x1000, s31  }
.LBB2_1:
0x14: {  	s0 =	rddreg [dreg:$0x3]  }
0x15: {  	[tilespmem:s1], [sflag:$0x3] =	stream.linear.gather [hbm4b:s0+s1], $0x2000, $0x38;
	[tilespmem:$0x12000] =	vst v63  }
0x16: {  	_ =	swait.ge [sflag:s17], $0x2000  }
0x17: {  	[sflag:s17] =	ssyncset.done $0x0  }
0x18: {  	[sflag:s17] =	ssyncadd.s32 $0xFFFFE000  }
0x19: {  	[tilespmem:s19], [sflag:$0x1] =	stream.indirect.gather [hbm4b:s3+s18], $0x80, s1, s18, $0xb8;
	[tilespmem:$0x12000] =	vst v63  }
0x1a: {  	_ = 	snop  }
0x1b: {  	[tilespmem:s20], [sflag:$0x1] =	stream.indirect.gather [hbm4b:s3+s18], $0x80, s18, s18, $0xb8;
	[tilespmem:$0x12000] =	vst v63  }
0x1c: {  	s29 =	simm.s32 $0x100  }
0x1d: {  	[tilespmem:s21], [sflag:$0x2] =	stream.indirect.gather [hbm4b:s3+s18], $0x80, s29, s18, $0xb8;
	[tilespmem:$0x12000] =	vst v63  }
0x1e: {  	s29 =	simm.s32 $0x180  }
0x1f: {  	[tilespmem:s22], [sflag:$0x2] =	stream.indirect.gather [hbm4b:s3+s18], $0x80, s29, s18, $0xb8;
	[tilespmem:$0x12000] =	vst v63  }
0x20: {  	_ =	swait.ge [sflag:s23], $0x8000  }
0x21: {  	[sflag:s23] =	ssyncset.done $0x0  }
0x22: {  	s29 =	sadd.s32 $0xFFFFF000, s14;
	[sflag:s23] =	ssyncadd.s32 $0xFFFF8000  }
0x23: {  	[hbm4b:s29+s1] =	stream.linear.scatter [tilespmem:s19], [sflag:$0x3], $0x8000, $0x38;
	[tilespmem:$0x12000] =	vst v63  }
0x24: {  	_ =	swait.ge [sflag:s17], $0x8000  }
0x25: {  	[sflag:s17] =	ssyncset.done $0x0  }
0x26: {  	s29 =	simm.s32 $0x200;
	[sflag:s17] =	ssyncadd.s32 $0xFFFF8000  }
0x27: {  	[tilespmem:s19], [sflag:$0x1] =	stream.indirect.gather [hbm4b:s3+s18], $0x80, s29, s18, $0xb8;
	[tilespmem:$0x12000] =	vst v63  }
0x28: {  	s29 =	simm.s32 $0x280  }
0x29: {  	[tilespmem:s20], [sflag:$0x1] =	stream.indirect.gather [hbm4b:s3+s18], $0x80, s29, s18, $0xb8;
	[tilespmem:$0x12000] =	vst v63  }
0x2a: {  	_ =	swait.ge [sflag:s24], $0x8000  }
0x2b: {  	[sflag:s24] =	ssyncset.done $0x0  }
0x2c: {  	[sflag:s24] =	ssyncadd.s32 $0xFFFF8000  }
0x2d: {  	[hbm4b:s14+s1] =	stream.linear.scatter [tilespmem:s21], [sflag:$0x3], $0x8000, $0x38;
	[tilespmem:$0x12000] =	vst v63  }
0x2e: {  	s31 =	simm.s32 $0x1000;
	_ =	swait.ge [sflag:s17], $0x8000  }
0x2f: {  	s30 =	simm.s32 $0x200;
	s29 =	sadd.s32 $0x2000, s14;
	[sflag:s17] =	ssyncset.done $0x0  }
.LBB2_2:
0x30: {  	s0 =	sadd.s32 $0x100, s30  }
0x31: {  	[sflag:s17] =	ssyncadd.s32 $0xFFFF8000;
	s2 =	smov.u32 s31;
	s6 =	sadd.s32 $0x800, s31  }
0x32: {  	[tilespmem:s21], [sflag:$0x2] =	stream.indirect.gather [hbm4b:s3+s18], $0x80, s0, s18, $0xb8;
	[tilespmem:$0x12000] =	vst v63  }
0x33: {  	p0 =	sne.s32 s31, $0x7000;
	s0 =	sadd.s32 $0x180, s30  }
0x34: {  	[tilespmem:s22], [sflag:$0x2] =	stream.indirect.gather [hbm4b:s3+s18], $0x80, s0, s18, $0xb8;
	[tilespmem:$0x12000] =	vst v63  }
0x35: {  	_ =	swait.ge [sflag:s23], $0x8000  }
0x36: {  	[sflag:s23] =	ssyncset.done $0x0  }
0x37: {  	s0 =	sadd.s32 $0xFFFFF000, s29;
	[sflag:s23] =	ssyncadd.s32 $0xFFFF8000  }
0x38: {  	[hbm4b:s0+s1] =	stream.linear.scatter [tilespmem:s19], [sflag:$0x3], $0x8000, $0x38;
	[tilespmem:$0x12000] =	vst v63  }
0x39: {  	_ =	swait.ge [sflag:s17], $0x8000  }
0x3a: {  	[sflag:s17] =	ssyncset.done $0x0  }
0x3b: {  	s0 =	sadd.s32 $0x200, s30;
	[sflag:s17] =	ssyncadd.s32 $0xFFFF8000  }
0x3c: {  	[tilespmem:s19], [sflag:$0x1] =	stream.indirect.gather [hbm4b:s3+s18], $0x80, s0, s18, $0xb8;
	[tilespmem:$0x12000] =	vst v63  }
0x3d: {  	s0 =	sadd.s32 $0x280, s30  }
0x3e: {  	[tilespmem:s20], [sflag:$0x1] =	stream.indirect.gather [hbm4b:s3+s18], $0x80, s0, s18, $0xb8;
	[tilespmem:$0x12000] =	vst v63  }
0x3f: {  	_ =	swait.ge [sflag:s24], $0x8000  }
.Ltmp0:
0x40: {  	[sflag:s24] =	ssyncset.done $0x0;
	(pc) =	sbr.rel @p0 .LBB2_2-.Ltmp0, $4  }
0x41: {  	[sflag:s24] =	ssyncadd.s32 $0xFFFF8000  }
0x42: {  	[hbm4b:s29+s1] =	stream.linear.scatter [tilespmem:s21], [sflag:$0x3], $0x8000, $0x38;
	[tilespmem:$0x12000] =	vst v63  }
0x43: {  	s31 =	smov.u32 s6;
	_ =	swait.ge [sflag:s17], $0x8000  }
0x44: {  	s30 =	sshra.s32 s2, $0x2;
	s29 =	sadd.s32 $0x2000, s29;
	[sflag:s17] =	ssyncset.done $0x0  }
0x45: {  	s0 =	sadd.s32 $0x100, s30;
	[sflag:s17] =	ssyncadd.s32 $0xFFFF8000  }
0x46: {  	[tilespmem:s21], [sflag:$0x2] =	stream.indirect.gather [hbm4b:s3+s18], $0x80, s0, s18, $0xb8;
	[tilespmem:$0x12000] =	vst v63  }
0x47: {  	s2 =	sadd.s32 $0x180, s30  }
0x48: {  	[tilespmem:s22], [sflag:$0x2] =	stream.indirect.gather [hbm4b:s3+s18], $0x80, s2, s18, $0xb8;
	[tilespmem:$0x12000] =	vst v63  }
0x49: {  	_ =	swait.ge [sflag:s23], $0x8000  }
0x4a: {  	[sflag:s23] =	ssyncset.done $0x0  }
0x4b: {  	s6 =	sadd.s32 $0xFFFFF000, s29;
	[sflag:s23] =	ssyncadd.s32 $0xFFFF8000  }
0x4c: {  	[hbm4b:s6+s1] =	stream.linear.scatter [tilespmem:s19], [sflag:$0x3], $0x8000, $0x38;
	[tilespmem:$0x12000] =	vst v63  }
0x4d: {  	_ =	swait.ge [sflag:s17], $0x8000  }
0x4e: {  	[sflag:s17] =	ssyncset.done $0x0  }
0x4f: {  	s2 =	sadd.s32 $0x200, s30;
	[sflag:s17] =	ssyncadd.s32 $0xFFFF8000  }
0x50: {  	[tilespmem:s19], [sflag:$0x1] =	stream.indirect.gather [hbm4b:s3+s18], $0x80, s2, s18, $0xb8;
	[tilespmem:$0x12000] =	vst v63  }
0x51: {  	s6 =	sadd.s32 $0x280, s30  }
0x52: {  	[tilespmem:s20], [sflag:$0x1] =	stream.indirect.gather [hbm4b:s3+s18], $0x80, s6, s18, $0xb8;
	[tilespmem:$0x12000] =	vst v63  }
0x53: {  	_ =	swait.ge [sflag:s24], $0x8000  }
0x54: {  	[sflag:s24] =	ssyncset.done $0x0  }
0x55: {  	[sflag:s24] =	ssyncadd.s32 $0xFFFF8000  }
0x56: {  	[hbm4b:s29+s1] =	stream.linear.scatter [tilespmem:s21], [sflag:$0x3], $0x8000, $0x38;
	[tilespmem:$0x12000] =	vst v63  }
0x57: {  	_ =	swait.ge [sflag:s17], $0x8000  }
0x58: {  	[sflag:s17] =	ssyncset.done $0x0  }
0x59: {  	[sflag:s17] =	ssyncadd.s32 $0xFFFF8000  }
0x5a: {  	[tilespmem:s21], [sflag:$0x2] =	stream.indirect.gather [hbm4b:s3+s18], $0x80, s25, s18, $0xb8;
	[tilespmem:$0x12000] =	vst v63  }
0x5b: {  	_ = 	snop  }
0x5c: {  	[tilespmem:s22], [sflag:$0x2] =	stream.indirect.gather [hbm4b:s3+s18], $0x80, s26, s18, $0xb8;
	[tilespmem:$0x12000] =	vst v63  }
0x5d: {  	_ =	swait.ge [sflag:s23], $0x8000  }
0x5e: {  	[sflag:s23] =	ssyncset.done $0x0  }
0x5f: {  	s2 =	simm.s32 $0x0;
	[sflag:s23] =	ssyncadd.s32 $0xFFFF8000  }
0x60: {  	[hbm4b:s8+s2] =	stream.linear.scatter [tilespmem:s19], [sflag:$0x3], $0x8000, $0x38;
	[tilespmem:$0x12000] =	vst v63  }
0x61: {  	_ =	swait.ge [sflag:s17], $0x8000  }
0x62: {  	[sflag:s17] =	ssyncset.done $0x0  }
0x63: {  	[sflag:s17] =	ssyncadd.s32 $0xFFFF8000  }
0x64: {  	_ =	swait.ge [sflag:s24], $0x8000  }
0x65: {  	[sflag:s24] =	ssyncset.done $0x0  }
0x66: {  	[sflag:s24] =	ssyncadd.s32 $0xFFFF8000  }
0x67: {  	[hbm4b:s9+s2] =	stream.linear.scatter [tilespmem:s21], [sflag:$0x3], $0x8000, $0x38;
	[tilespmem:$0x12000] =	vst v63  }
0x68: {  	_ =	swait.ge [sflag:s17], $0x8000  }
0x69: {  	[sflag:s17] =	ssyncset.done $0x0  }
0x6a: {  	[sflag:s17] =	ssyncadd.s32 $0xFFFF8000  }
0x6b: {  	[tilespmem:s19], [sflag:$0x1] =	stream.indirect.gather [hbm4b:s4+s18], $0x80, s2, s18, $0xb8;
	[tilespmem:$0x12000] =	vst v63  }
0x6c: {  	_ = 	snop  }
0x6d: {  	[tilespmem:s20], [sflag:$0x1] =	stream.indirect.gather [hbm4b:s4+s18], $0x80, s18, s18, $0xb8;
	[tilespmem:$0x12000] =	vst v63  }
0x6e: {  	s6 =	simm.s32 $0x100  }
0x6f: {  	[tilespmem:s21], [sflag:$0x2] =	stream.indirect.gather [hbm4b:s4+s18], $0x80, s6, s18, $0xb8;
	[tilespmem:$0x12000] =	vst v63  }
0x70: {  	s2 =	simm.s32 $0x180  }
0x71: {  	[tilespmem:s22], [sflag:$0x2] =	stream.indirect.gather [hbm4b:s4+s18], $0x80, s2, s18, $0xb8;
	[tilespmem:$0x12000] =	vst v63  }
0x72: {  	_ =	swait.ge [sflag:s23], $0x8000  }
0x73: {  	[sflag:s23] =	ssyncset.done $0x0  }
0x74: {  	s6 =	sadd.s32 $0xFFFFF000, s15;
	[sflag:s23] =	ssyncadd.s32 $0xFFFF8000  }
0x75: {  	[hbm4b:s6+s1] =	stream.linear.scatter [tilespmem:s19], [sflag:$0x3], $0x8000, $0x38;
	[tilespmem:$0x12000] =	vst v63  }
0x76: {  	_ =	swait.ge [sflag:s17], $0x8000  }
0x77: {  	[sflag:s17] =	ssyncset.done $0x0  }
0x78: {  	s2 =	simm.s32 $0x200;
	[sflag:s17] =	ssyncadd.s32 $0xFFFF8000  }
0x79: {  	[tilespmem:s19], [sflag:$0x1] =	stream.indirect.gather [hbm4b:s4+s18], $0x80, s2, s18, $0xb8;
	[tilespmem:$0x12000] =	vst v63  }
0x7a: {  	s6 =	simm.s32 $0x280  }
0x7b: {  	[tilespmem:s20], [sflag:$0x1] =	stream.indirect.gather [hbm4b:s4+s18], $0x80, s6, s18, $0xb8;
	[tilespmem:$0x12000] =	vst v63  }
0x7c: {  	_ =	swait.ge [sflag:s24], $0x8000  }
0x7d: {  	[sflag:s24] =	ssyncset.done $0x0  }
0x7e: {  	[sflag:s24] =	ssyncadd.s32 $0xFFFF8000  }
0x7f: {  	[hbm4b:s15+s1] =	stream.linear.scatter [tilespmem:s21], [sflag:$0x3], $0x8000, $0x38;
	[tilespmem:$0x12000] =	vst v63  }
0x80: {  	s31 =	simm.s32 $0x1000;
	_ =	swait.ge [sflag:s17], $0x8000  }
0x81: {  	s30 =	simm.s32 $0x200;
	s29 =	sadd.s32 $0x2000, s15;
	[sflag:s17] =	ssyncset.done $0x0  }
.LBB2_4:
0x82: {  	s0 =	sadd.s32 $0x100, s30  }
0x83: {  	[sflag:s17] =	ssyncadd.s32 $0xFFFF8000;
	s2 =	smov.u32 s31;
	s6 =	sadd.s32 $0x800, s31  }
0x84: {  	[tilespmem:s21], [sflag:$0x2] =	stream.indirect.gather [hbm4b:s4+s18], $0x80, s0, s18, $0xb8;
	[tilespmem:$0x12000] =	vst v63  }
0x85: {  	p0 =	sne.s32 s31, $0x7000;
	s0 =	sadd.s32 $0x180, s30  }
0x86: {  	[tilespmem:s22], [sflag:$0x2] =	stream.indirect.gather [hbm4b:s4+s18], $0x80, s0, s18, $0xb8;
	[tilespmem:$0x12000] =	vst v63  }
0x87: {  	_ =	swait.ge [sflag:s23], $0x8000  }
0x88: {  	[sflag:s23] =	ssyncset.done $0x0  }
0x89: {  	s0 =	sadd.s32 $0xFFFFF000, s29;
	[sflag:s23] =	ssyncadd.s32 $0xFFFF8000  }
0x8a: {  	[hbm4b:s0+s1] =	stream.linear.scatter [tilespmem:s19], [sflag:$0x3], $0x8000, $0x38;
	[tilespmem:$0x12000] =	vst v63  }
0x8b: {  	_ =	swait.ge [sflag:s17], $0x8000  }
0x8c: {  	[sflag:s17] =	ssyncset.done $0x0  }
0x8d: {  	s0 =	sadd.s32 $0x200, s30;
	[sflag:s17] =	ssyncadd.s32 $0xFFFF8000  }
0x8e: {  	[tilespmem:s19], [sflag:$0x1] =	stream.indirect.gather [hbm4b:s4+s18], $0x80, s0, s18, $0xb8;
	[tilespmem:$0x12000] =	vst v63  }
0x8f: {  	s0 =	sadd.s32 $0x280, s30  }
0x90: {  	[tilespmem:s20], [sflag:$0x1] =	stream.indirect.gather [hbm4b:s4+s18], $0x80, s0, s18, $0xb8;
	[tilespmem:$0x12000] =	vst v63  }
0x91: {  	_ =	swait.ge [sflag:s24], $0x8000  }
.Ltmp1:
0x92: {  	[sflag:s24] =	ssyncset.done $0x0;
	(pc) =	sbr.rel @p0 .LBB2_4-.Ltmp1, $4  }
0x93: {  	[sflag:s24] =	ssyncadd.s32 $0xFFFF8000  }
0x94: {  	[hbm4b:s29+s1] =	stream.linear.scatter [tilespmem:s21], [sflag:$0x3], $0x8000, $0x38;
	[tilespmem:$0x12000] =	vst v63  }
0x95: {  	s31 =	smov.u32 s6;
	_ =	swait.ge [sflag:s17], $0x8000  }
0x96: {  	s30 =	sshra.s32 s2, $0x2;
	s29 =	sadd.s32 $0x2000, s29;
	[sflag:s17] =	ssyncset.done $0x0  }
0x97: {  	s0 =	sadd.s32 $0x100, s30;
	[sflag:s17] =	ssyncadd.s32 $0xFFFF8000  }
0x98: {  	[tilespmem:s21], [sflag:$0x2] =	stream.indirect.gather [hbm4b:s4+s18], $0x80, s0, s18, $0xb8;
	[tilespmem:$0x12000] =	vst v63  }
0x99: {  	s2 =	sadd.s32 $0x180, s30  }
0x9a: {  	[tilespmem:s22], [sflag:$0x2] =	stream.indirect.gather [hbm4b:s4+s18], $0x80, s2, s18, $0xb8;
	[tilespmem:$0x12000] =	vst v63  }
0x9b: {  	_ =	swait.ge [sflag:s23], $0x8000  }
0x9c: {  	[sflag:s23] =	ssyncset.done $0x0  }
0x9d: {  	s6 =	sadd.s32 $0xFFFFF000, s29;
	[sflag:s23] =	ssyncadd.s32 $0xFFFF8000  }
0x9e: {  	[hbm4b:s6+s1] =	stream.linear.scatter [tilespmem:s19], [sflag:$0x3], $0x8000, $0x38;
	[tilespmem:$0x12000] =	vst v63  }
0x9f: {  	_ =	swait.ge [sflag:s17], $0x8000  }
0xa0: {  	[sflag:s17] =	ssyncset.done $0x0  }
0xa1: {  	s2 =	sadd.s32 $0x200, s30;
	[sflag:s17] =	ssyncadd.s32 $0xFFFF8000  }
0xa2: {  	[tilespmem:s19], [sflag:$0x1] =	stream.indirect.gather [hbm4b:s4+s18], $0x80, s2, s18, $0xb8;
	[tilespmem:$0x12000] =	vst v63  }
0xa3: {  	s6 =	sadd.s32 $0x280, s30  }
0xa4: {  	[tilespmem:s20], [sflag:$0x1] =	stream.indirect.gather [hbm4b:s4+s18], $0x80, s6, s18, $0xb8;
	[tilespmem:$0x12000] =	vst v63  }
0xa5: {  	_ =	swait.ge [sflag:s24], $0x8000  }
0xa6: {  	[sflag:s24] =	ssyncset.done $0x0  }
0xa7: {  	[sflag:s24] =	ssyncadd.s32 $0xFFFF8000  }
0xa8: {  	[hbm4b:s29+s1] =	stream.linear.scatter [tilespmem:s21], [sflag:$0x3], $0x8000, $0x38;
	[tilespmem:$0x12000] =	vst v63  }
0xa9: {  	_ =	swait.ge [sflag:s17], $0x8000  }
0xaa: {  	[sflag:s17] =	ssyncset.done $0x0  }
0xab: {  	[sflag:s17] =	ssyncadd.s32 $0xFFFF8000  }
0xac: {  	[tilespmem:s21], [sflag:$0x2] =	stream.indirect.gather [hbm4b:s4+s18], $0x80, s25, s18, $0xb8;
	[tilespmem:$0x12000] =	vst v63  }
0xad: {  	_ = 	snop  }
0xae: {  	[tilespmem:s22], [sflag:$0x2] =	stream.indirect.gather [hbm4b:s4+s18], $0x80, s26, s18, $0xb8;
	[tilespmem:$0x12000] =	vst v63  }
0xaf: {  	_ =	swait.ge [sflag:s23], $0x8000  }
0xb0: {  	[sflag:s23] =	ssyncset.done $0x0  }
0xb1: {  	s2 =	simm.s32 $0x0;
	[sflag:s23] =	ssyncadd.s32 $0xFFFF8000  }
0xb2: {  	[hbm4b:s10+s2] =	stream.linear.scatter [tilespmem:s19], [sflag:$0x3], $0x8000, $0x38;
	[tilespmem:$0x12000] =	vst v63  }
0xb3: {  	_ =	swait.ge [sflag:s17], $0x8000  }
0xb4: {  	[sflag:s17] =	ssyncset.done $0x0  }
0xb5: {  	[sflag:s17] =	ssyncadd.s32 $0xFFFF8000  }
0xb6: {  	_ =	swait.ge [sflag:s24], $0x8000  }
0xb7: {  	[sflag:s24] =	ssyncset.done $0x0  }
0xb8: {  	[sflag:s24] =	ssyncadd.s32 $0xFFFF8000  }
0xb9: {  	[hbm4b:s12+s2] =	stream.linear.scatter [tilespmem:s21], [sflag:$0x3], $0x8000, $0x38;
	[tilespmem:$0x12000] =	vst v63  }
0xba: {  	_ =	swait.ge [sflag:s17], $0x8000  }
0xbb: {  	[sflag:s17] =	ssyncset.done $0x0  }
0xbc: {  	[sflag:s17] =	ssyncadd.s32 $0xFFFF8000  }
0xbd: {  	[tilespmem:s19], [sflag:$0x1] =	stream.indirect.gather [hbm4b:s5+s18], $0x80, s2, s18, $0xb8;
	[tilespmem:$0x12000] =	vst v63  }
0xbe: {  	_ = 	snop  }
0xbf: {  	[tilespmem:s20], [sflag:$0x1] =	stream.indirect.gather [hbm4b:s5+s18], $0x80, s18, s18, $0xb8;
	[tilespmem:$0x12000] =	vst v63  }
0xc0: {  	s6 =	simm.s32 $0x100  }
0xc1: {  	[tilespmem:s21], [sflag:$0x2] =	stream.indirect.gather [hbm4b:s5+s18], $0x80, s6, s18, $0xb8;
	[tilespmem:$0x12000] =	vst v63  }
0xc2: {  	s2 =	simm.s32 $0x180  }
0xc3: {  	[tilespmem:s22], [sflag:$0x2] =	stream.indirect.gather [hbm4b:s5+s18], $0x80, s2, s18, $0xb8;
	[tilespmem:$0x12000] =	vst v63  }
0xc4: {  	_ =	swait.ge [sflag:s23], $0x8000  }
0xc5: {  	[sflag:s23] =	ssyncset.done $0x0  }
0xc6: {  	s6 =	sadd.s32 $0xFFFFF000, s16;
	[sflag:s23] =	ssyncadd.s32 $0xFFFF8000  }
0xc7: {  	[hbm4b:s6+s1] =	stream.linear.scatter [tilespmem:s19], [sflag:$0x3], $0x8000, $0x38;
	[tilespmem:$0x12000] =	vst v63  }
0xc8: {  	_ =	swait.ge [sflag:s17], $0x8000  }
0xc9: {  	[sflag:s17] =	ssyncset.done $0x0  }
0xca: {  	s2 =	simm.s32 $0x200;
	[sflag:s17] =	ssyncadd.s32 $0xFFFF8000  }
0xcb: {  	[tilespmem:s19], [sflag:$0x1] =	stream.indirect.gather [hbm4b:s5+s18], $0x80, s2, s18, $0xb8;
	[tilespmem:$0x12000] =	vst v63  }
0xcc: {  	s6 =	simm.s32 $0x280  }
0xcd: {  	[tilespmem:s20], [sflag:$0x1] =	stream.indirect.gather [hbm4b:s5+s18], $0x80, s6, s18, $0xb8;
	[tilespmem:$0x12000] =	vst v63  }
0xce: {  	_ =	swait.ge [sflag:s24], $0x8000  }
0xcf: {  	[sflag:s24] =	ssyncset.done $0x0  }
0xd0: {  	[sflag:s24] =	ssyncadd.s32 $0xFFFF8000  }
0xd1: {  	[hbm4b:s16+s1] =	stream.linear.scatter [tilespmem:s21], [sflag:$0x3], $0x8000, $0x38;
	[tilespmem:$0x12000] =	vst v63  }
0xd2: {  	s31 =	simm.s32 $0x1000;
	_ =	swait.ge [sflag:s17], $0x8000  }
0xd3: {  	s30 =	simm.s32 $0x200;
	s29 =	sadd.s32 $0x2000, s16;
	[sflag:s17] =	ssyncset.done $0x0  }
.LBB2_6:
0xd4: {  	s0 =	sadd.s32 $0x100, s30  }
0xd5: {  	[sflag:s17] =	ssyncadd.s32 $0xFFFF8000;
	s2 =	smov.u32 s31;
	s6 =	sadd.s32 $0x800, s31  }
0xd6: {  	[tilespmem:s21], [sflag:$0x2] =	stream.indirect.gather [hbm4b:s5+s18], $0x80, s0, s18, $0xb8;
	[tilespmem:$0x12000] =	vst v63  }
0xd7: {  	p0 =	sne.s32 s31, $0x7000;
	s0 =	sadd.s32 $0x180, s30  }
0xd8: {  	[tilespmem:s22], [sflag:$0x2] =	stream.indirect.gather [hbm4b:s5+s18], $0x80, s0, s18, $0xb8;
	[tilespmem:$0x12000] =	vst v63  }
0xd9: {  	_ =	swait.ge [sflag:s23], $0x8000  }
0xda: {  	[sflag:s23] =	ssyncset.done $0x0  }
0xdb: {  	s0 =	sadd.s32 $0xFFFFF000, s29;
	[sflag:s23] =	ssyncadd.s32 $0xFFFF8000  }
0xdc: {  	[hbm4b:s0+s1] =	stream.linear.scatter [tilespmem:s19], [sflag:$0x3], $0x8000, $0x38;
	[tilespmem:$0x12000] =	vst v63  }
0xdd: {  	_ =	swait.ge [sflag:s17], $0x8000  }
0xde: {  	[sflag:s17] =	ssyncset.done $0x0  }
0xdf: {  	s0 =	sadd.s32 $0x200, s30;
	[sflag:s17] =	ssyncadd.s32 $0xFFFF8000  }
0xe0: {  	[tilespmem:s19], [sflag:$0x1] =	stream.indirect.gather [hbm4b:s5+s18], $0x80, s0, s18, $0xb8;
	[tilespmem:$0x12000] =	vst v63  }
0xe1: {  	s0 =	sadd.s32 $0x280, s30  }
0xe2: {  	[tilespmem:s20], [sflag:$0x1] =	stream.indirect.gather [hbm4b:s5+s18], $0x80, s0, s18, $0xb8;
	[tilespmem:$0x12000] =	vst v63  }
0xe3: {  	_ =	swait.ge [sflag:s24], $0x8000  }
.Ltmp2:
0xe4: {  	[sflag:s24] =	ssyncset.done $0x0;
	(pc) =	sbr.rel @p0 .LBB2_6-.Ltmp2, $4  }
0xe5: {  	[sflag:s24] =	ssyncadd.s32 $0xFFFF8000  }
0xe6: {  	[hbm4b:s29+s1] =	stream.linear.scatter [tilespmem:s21], [sflag:$0x3], $0x8000, $0x38;
	[tilespmem:$0x12000] =	vst v63  }
0xe7: {  	s31 =	smov.u32 s6;
	_ =	swait.ge [sflag:s17], $0x8000  }
0xe8: {  	s30 =	sshra.s32 s2, $0x2;
	s29 =	sadd.s32 $0x2000, s29;
	[sflag:s17] =	ssyncset.done $0x0  }
0xe9: {  	s0 =	sadd.s32 $0x100, s30;
	[sflag:s17] =	ssyncadd.s32 $0xFFFF8000  }
0xea: {  	[tilespmem:s21], [sflag:$0x2] =	stream.indirect.gather [hbm4b:s5+s18], $0x80, s0, s18, $0xb8;
	[tilespmem:$0x12000] =	vst v63  }
0xeb: {  	s31 =	sadd.s32 $0x180, s30  }
0xec: {  	[tilespmem:s22], [sflag:$0x2] =	stream.indirect.gather [hbm4b:s5+s18], $0x80, s31, s18, $0xb8;
	[tilespmem:$0x12000] =	vst v63  }
0xed: {  	_ =	swait.ge [sflag:s23], $0x8000  }
0xee: {  	[sflag:s23] =	ssyncset.done $0x0  }
0xef: {  	s2 =	sadd.s32 $0xFFFFF000, s29;
	[sflag:s23] =	ssyncadd.s32 $0xFFFF8000  }
0xf0: {  	[hbm4b:s2+s1] =	stream.linear.scatter [tilespmem:s19], [sflag:$0x3], $0x8000, $0x38;
	[tilespmem:$0x12000] =	vst v63  }
0xf1: {  	_ =	swait.ge [sflag:s17], $0x8000  }
0xf2: {  	[sflag:s17] =	ssyncset.done $0x0  }
0xf3: {  	s6 =	sadd.s32 $0x200, s30;
	[sflag:s17] =	ssyncadd.s32 $0xFFFF8000  }
0xf4: {  	[tilespmem:s19], [sflag:$0x1] =	stream.indirect.gather [hbm4b:s5+s18], $0x80, s6, s18, $0xb8;
	[tilespmem:$0x12000] =	vst v63  }
0xf5: {  	s31 =	sadd.s32 $0x280, s30  }
0xf6: {  	[tilespmem:s20], [sflag:$0x1] =	stream.indirect.gather [hbm4b:s5+s18], $0x80, s31, s18, $0xb8;
	[tilespmem:$0x12000] =	vst v63  }
0xf7: {  	_ =	swait.ge [sflag:s24], $0x8000  }
0xf8: {  	[sflag:s24] =	ssyncset.done $0x0  }
0xf9: {  	[sflag:s24] =	ssyncadd.s32 $0xFFFF8000  }
0xfa: {  	[hbm4b:s29+s1] =	stream.linear.scatter [tilespmem:s21], [sflag:$0x3], $0x8000, $0x38;
	[tilespmem:$0x12000] =	vst v63  }
0xfb: {  	_ =	swait.ge [sflag:s17], $0x8000  }
0xfc: {  	[sflag:s17] =	ssyncset.done $0x0  }
0xfd: {  	[sflag:s17] =	ssyncadd.s32 $0xFFFF8000  }
0xfe: {  	[tilespmem:s21], [sflag:$0x2] =	stream.indirect.gather [hbm4b:s5+s18], $0x80, s25, s18, $0xb8;
	[tilespmem:$0x12000] =	vst v63  }
0xff: {  	_ = 	snop  }
0x100: {  	[tilespmem:s22], [sflag:$0x2] =	stream.indirect.gather [hbm4b:s5+s18], $0x80, s26, s18, $0xb8;
	[tilespmem:$0x12000] =	vst v63  }
0x101: {  	_ =	swait.ge [sflag:s23], $0x8000  }
0x102: {  	[sflag:s23] =	ssyncset.done $0x0  }
0x103: {  	[sflag:s23] =	ssyncadd.s32 $0xFFFF8000  }
0x104: {  	[hbm4b:s11+s1] =	stream.linear.scatter [tilespmem:s19], [sflag:$0x3], $0x8000, $0x38;
	[tilespmem:$0x12000] =	vst v63  }
0x105: {  	_ =	swait.ge [sflag:s17], $0x8000  }
0x106: {  	[sflag:s17] =	ssyncset.done $0x0  }
0x107: {  	[sflag:s17] =	ssyncadd.s32 $0xFFFF8000  }
0x108: {  	s28 =	sadd.s32 $0x1, s28;
	_ =	swait.ge [sflag:s24], $0x8000  }
0x109: {  	p0 =	sne.s32 s28, s7;
	[sflag:s24] =	ssyncset.done $0x0  }
.Ltmp3:
0x10a: {  	[sflag:s24] =	ssyncadd.s32 $0xFFFF8000;
	(pc) =	sbr.rel @p0 .LBB2_1-.Ltmp3, $4  }
0x10b: {  	[hbm4b:s13+s1] =	stream.linear.scatter [tilespmem:s21], [sflag:$0x3], $0x8000, $0x38;
	[tilespmem:$0x12000] =	vst v63  }
0x10c: {  	_ =	swait.ge [sflag:s17], $0x8000  }
0x10d: {  	[sflag:s17] =	ssyncset.done $0x0  }
0x10e: {  	[sflag:s17] =	ssyncadd.s32 $0xFFFF8000  }
0x10f: {  	_ =	sfence.sel $0x180000  }
0x110: {  	[bflag:$0x0] =	sbarrier.arrive $0xFFFF  }
0x111: {  	_ =	strace $0x90000047  }
0x112: {  	s0 =	stileid.u32;
	[bflag:$0x2] =	sbarrier.arrive $0xFFFF  }
0x113: {  	p0 =	sne.s32 s0, $0x0;
	s0 =	rddreg [dreg:$0x2]  }
0x114: {  	s0 =	sadd.s32 @!p0 $0x100000, s0  }
0x115: {  	[sflag:s0] =	ssyncadd.tile.s32 @!p0 $0x1;
	_ =	shalt  }
.Lfunc_end2:
_tile_overlayer_lowered:
.L_overlay_start_2:
0x116: {  	(tag) =	ssettag $0x2  }
0x117: {  	s0 =	rddreg [dreg:$0x0];
	s2 =	stileid.u32  }
0x118: {  	s1 =	rddreg [dreg:$0x1];
	p0 =	sne.s32 s2, $0x0  }
0x119: {  	s3 =	rddreg [dreg:$0x2];
	[bflag:$0x3] =	sbarrier.arrive $0xFFFF;
	s2 =	simm.s32 @!p0 $0x1C03  }
0x11a: {  	[timem:s3], [sflag:s2] =	dma.local @!p0 [hbm:s0], s1  }
0x11b: {  	s0 =	simm.s32 @!p0 $0x3  }
0x11c: {  	_ =	swait.ge @!p0 [sflag:s0], s1  }
0x11d: {  	s1 =	ssub.s32 @!p0 $0x0, s1;
	[sflag:s0] =	ssyncset.done @!p0 $0x0  }
0x11e: {  	[sflag:s0] =	ssyncadd.s32 @!p0 s1  }
0x11f: {  	[bflag:$0x3] =	sbarrier.arrive $0xFFFF  }
0x120: {  	_ =	shalt  }

</sc_bundles>
